<compile_context>
chip_gen: v7x
topology: tpu7x:2x2x1
jax: 0.10.2.dev20260603
libtpu: 0.0.44.dev20260713+nightly
codegen_flags: <defaults>
</compile_context>

<pallas_src>
import jax
import jax.numpy as jnp
from jax import lax
from jax.experimental import pallas as pl
from jax.experimental.pallas import tpu as pltpu
from jax.experimental.pallas import tpu_sc as plsc

DIMS = (8, 16, 32, 64, 128)
OFFS = (0, 8, 24, 56)
B = 16384
NC, NS = 2, 16
NW = NC * NS
BPW = B // NW
NCH = BPW // 128
ROW_BLK = 2048


def _sc_gather_body(x_hbm, e0, e1, e2, e3,
                    ocat,
                    idx_v, r0, r1, r2, r3, sem):
    wid = lax.axis_index("s") * NC + lax.axis_index("c")
    base = wid * BPW
    pltpu.sync_copy(x_hbm.at[pl.ds(wid * NCH, NCH)], idx_v)
    bufs = (r0, r1, r2, r3)
    copies = []
    for t, rb in zip((e0, e1, e2, e3), bufs):
        for j in range(NCH):
            copies.append(pltpu.async_copy(
                t.at[idx_v.at[j]], rb.at[pl.ds(j * 128, 128)], sem))
    for c in copies:
        c.wait()
    outs = []
    for rb, off, d in zip(bufs, OFFS, DIMS):
        outs.append(pltpu.async_copy(
            rb, ocat.at[pl.ds(base, BPW), pl.ds(off, d)], sem))
    for c in outs:
        c.wait()


def _sc_gather(x2d, e0, e1, e2, e3):
    mesh = plsc.VectorSubcoreMesh(core_axis_name="c", subcore_axis_name="s")
    return pl.kernel(
        _sc_gather_body,
        out_type=jax.ShapeDtypeStruct((B, 128), jnp.float32),
        mesh=mesh,
        scratch_types=[
            pltpu.VMEM((NCH, 128), jnp.int32),
            pltpu.VMEM((BPW, 8), jnp.float32),
            pltpu.VMEM((BPW, 16), jnp.float32),
            pltpu.VMEM((BPW, 32), jnp.float32),
            pltpu.VMEM((BPW, 64), jnp.float32),
            pltpu.SemaphoreType.DMA,
        ],
        compiler_params=pltpu.CompilerParams(use_tc_tiling_on_sc=False),
    )(x2d, e0, e1, e2, e3)


def _sc_gather_e4_body(x_hbm, e4, o4, idx_v, ra, rb, rc, rd, sem):
    wid = lax.axis_index("s") * NC + lax.axis_index("c")
    base = wid * BPW
    pltpu.sync_copy(x_hbm.at[pl.ds(wid * NCH, NCH)], idx_v)
    bufs = (ra, rb, rc, rd)
    copies = [pltpu.async_copy(e4.at[idx_v.at[j]], bufs[j], sem)
              for j in range(NCH)]
    for c in copies:
        c.wait()
    outs = [pltpu.async_copy(bufs[j], o4.at[pl.ds(base + j * 128, 128)], sem)
            for j in range(NCH)]
    for c in outs:
        c.wait()


def _sc_gather_e4(x2d, e4):
    mesh = plsc.VectorSubcoreMesh(core_axis_name="c", subcore_axis_name="s")
    return pl.kernel(
        _sc_gather_e4_body,
        out_type=jax.ShapeDtypeStruct((B, 128), jnp.float32),
        mesh=mesh,
        scratch_types=[pltpu.VMEM((NCH, 128), jnp.int32)]
        + [pltpu.VMEM((128, 128), jnp.float32)] * 4
        + [pltpu.SemaphoreType.DMA],
    )(x2d, e4)


def _tc_combine_body(dw_ref, cat_ref, e4_ref, pcat_ref, bstack_ref, out_ref):
    w = [dw_ref[i] for i in range(5)]
    cat = cat_ref[...]
    col = lax.broadcasted_iota(jnp.int32, (ROW_BLK, 128), 1)
    cat = jnp.where(col < 120, cat, 0.0)
    r = lax.broadcasted_iota(jnp.int32, (128, 128), 0)
    scale = jnp.where(r < 8, w[0],
            jnp.where(r < 24, w[1],
            jnp.where(r < 56, w[2],
            jnp.where(r < 120, w[3], 0.0))))
    p = pcat_ref[...] * scale
    acc = jnp.dot(cat, p, preferred_element_type=jnp.float32)
    bias = (w[0] * bstack_ref[0, :] + w[1] * bstack_ref[1, :]
            + w[2] * bstack_ref[2, :] + w[3] * bstack_ref[3, :])
    out_ref[...] = acc + bias[None, :] + w[4] * e4_ref[...]


def _tc_combine(cat, e4, pcat, bstack, dw):
    return pl.pallas_call(
        _tc_combine_body,
        grid=(B // ROW_BLK,),
        in_specs=[
            pl.BlockSpec(memory_space=pltpu.SMEM),
            pl.BlockSpec((ROW_BLK, 128), lambda i: (i, 0)),
            pl.BlockSpec((ROW_BLK, 128), lambda i: (i, 0)),
            pl.BlockSpec((128, 128), lambda i: (0, 0)),
            pl.BlockSpec((4, 128), lambda i: (0, 0)),
        ],
        out_specs=pl.BlockSpec((ROW_BLK, 128), lambda i: (i, 0)),
        out_shape=jax.ShapeDtypeStruct((B, 128), jnp.float32),
    )(dw, cat, e4, pcat, bstack)


def kernel(x, emb_0, emb_1, emb_2, emb_3, emb_4,
           proj_w_0, proj_b_0, proj_w_1, proj_b_1,
           proj_w_2, proj_b_2, proj_w_3, proj_b_3,
           dim_logits):
    dim_weights = jax.nn.softmax(dim_logits, axis=-1)
    x2d = x.astype(jnp.int32).reshape(B // 128, 128)
    cat = _sc_gather(x2d, emb_0, emb_1, emb_2, emb_3)
    e4 = _sc_gather_e4(x2d, emb_4)
    pcat = jnp.concatenate(
        [proj_w_0.T, proj_w_1.T, proj_w_2.T, proj_w_3.T,
         jnp.zeros((8, 128), jnp.float32)], axis=0)
    bstack = jnp.stack([proj_b_0, proj_b_1, proj_b_2, proj_b_3], axis=0)
    out = _tc_combine(cat, e4, pcat, bstack, dim_weights)
    return (out, dim_weights)

# --- scband reference (transcript-rebuilt; emitter-appended) ---
"""Pipeline reference for scband-ddsembedding-46703474377130 (READ-ONLY COPY).

The authoritative reference and input builder live on the scoring server;
editing this copy changes nothing except your own understanding.
"""

import jax, jax.numpy as jnp
import numpy as np

VOCAB = 100000
DIMS = [8, 16, 32, 64, 128]
MAX_DIM = 128
BATCH = 16384


def setup_inputs(seed: int = 0) -> dict:
    key = jax.random.key(seed)
    keys = jax.random.split(key, 16)
    inp = {}
    inp["x"] = jax.random.randint(keys[0], (BATCH,), 0, VOCAB + 1)
    for i, d in enumerate(DIMS):
        bound = (6.0 / float((VOCAB + 1) + d)) ** 0.5
        W = jax.random.uniform(keys[1 + i], (VOCAB + 1, d), minval=-bound, maxval=bound, dtype=jnp.float32)
        W = W.at[0].set(0.0)  # padding_idx=0
        inp[f"emb_{i}"] = W
    for i, d in enumerate(DIMS[:-1]):
        lim = (1.0 / float(d)) ** 0.5
        inp[f"proj_w_{i}"] = jax.random.uniform(keys[6 + i], (MAX_DIM, d), minval=-lim, maxval=lim, dtype=jnp.float32)
        inp[f"proj_b_{i}"] = jax.random.uniform(keys[10 + i], (MAX_DIM,), minval=-lim, maxval=lim, dtype=jnp.float32)
    inp["dim_logits"] = jnp.zeros((len(DIMS),), dtype=jnp.float32)
    return inp


def reference(x, emb_0, emb_1, emb_2, emb_3, emb_4,
              proj_w_0, proj_b_0, proj_w_1, proj_b_1,
              proj_w_2, proj_b_2, proj_w_3, proj_b_3,
              dim_logits):
    # Eval path: soft dim selection via softmax (Gumbel-Softmax only used in training)
    dim_weights = jax.nn.softmax(dim_logits, axis=-1)
    embs = [emb_0, emb_1, emb_2, emb_3, emb_4]
    projs = [(proj_w_0, proj_b_0), (proj_w_1, proj_b_1),
             (proj_w_2, proj_b_2), (proj_w_3, proj_b_3), None]
    outs = []
    for W, p in zip(embs, projs):
        e = jnp.take(W, x, axis=0)  # (B, d) embedding gather
        if p is None:
            outs.append(e)  # nn.Identity for dim == max_dim
        else:
            pw, pb = p
            outs.append(e @ pw.T + pb)  # Linear(dim, max_dim)
        
    outputs = jnp.stack(outs, axis=-1)  # (B, max_dim, n_candidates)
    output = jnp.einsum('bdc,c->bd', outputs, dim_weights)
    return (output, dim_weights)

if __name__ == "__main__":
    import jax
    _d = setup_inputs()
    print(jax.jit(kernel)(*tuple(_d.values())))

</pallas_src>

<mosaic_0001>
#map = affine_map<(d0, d1) -> (0, 0)>
module attributes {stable_mosaic.version = 14 : i64} {
  func.func @_sc_gather_e4_body(%arg0: i32, %arg1: i32, %arg2: memref<128x128xi32, #tpu.memory_space<hbm>>, %arg3: memref<100001x128xf32, #tpu.memory_space<hbm>>, %arg4: memref<16384x128xf32, #tpu.memory_space<hbm>>, %arg5: memref<4x128xi32, #tpu.memory_space<vmem>>, %arg6: memref<128x128xf32, #tpu.memory_space<vmem>>, %arg7: memref<128x128xf32, #tpu.memory_space<vmem>>, %arg8: memref<128x128xf32, #tpu.memory_space<vmem>>, %arg9: memref<128x128xf32, #tpu.memory_space<vmem>>, %arg10: memref<!tpu.dma_semaphore, #tpu.memory_space<semaphore_mem>>) attributes {dimension_semantics = [#tpu.dimension_semantics<core_parallel>, #tpu.dimension_semantics<subcore_parallel>], iteration_bounds = array<i64: 2, 16>, scalar_prefetch = 0 : i64, scratch_operands = 6 : i64, tpu.core_type = #tpu.core_type<sc_vector_subcore>, window_params = [{transform_indices = #map}, {transform_indices = #map}, {transform_indices = #map}]} {
    %mul3A = arith.constant 2 : i32
    %mul3A_0 = arith.muli %arg1, %mul3A : i32
    %add3A = arith.addi %mul3A_0, %arg0 : i32
    %mul3A_1 = arith.constant 512 : i32
    %mul3A_2 = arith.muli %add3A, %mul3A_1 : i32
    %mul3A_3 = arith.constant 4 : i32
    %mul3A_4 = arith.muli %add3A, %mul3A_3 : i32
    "tpu.region"() ({
      %run_scoped3A = tpu.sem_alloc : memref<!tpu.dma_semaphore, #tpu.memory_space<semaphore_mem>>
      %dma_start3A_99 = arith.constant 0 : i32
      %dma_start3A_100 = tpu.memref_slice %arg2[%mul3A_4, %dma_start3A_99] : memref<128x128xi32, #tpu.memory_space<hbm>> -> memref<4x128xi32, #tpu.memory_space<hbm>>
      %dma_start3A_101 = arith.constant 0 : i32
      %dma_start3A_102 = tpu.memref_slice %arg2[%mul3A_4, %dma_start3A_101] : memref<128x128xi32, #tpu.memory_space<hbm>> -> memref<4x128xi32, #tpu.memory_space<hbm>>
      tpu.enqueue_dma source(%dma_start3A_102 : memref<4x128xi32, #tpu.memory_space<hbm>>) target(%arg5 : memref<4x128xi32, #tpu.memory_space<vmem>>) target_semaphore(%run_scoped3A : memref<!tpu.dma_semaphore, #tpu.memory_space<semaphore_mem>>)
      %dma_wait3A_103 = arith.constant 0 : i32
      %dma_wait3A_104 = tpu.memref_slice %arg2[%mul3A_4, %dma_wait3A_103] : memref<128x128xi32, #tpu.memory_space<hbm>> -> memref<4x128xi32, #tpu.memory_space<hbm>>
      %dma_wait3A_105 = arith.constant 0 : i32
      %dma_wait3A_106 = tpu.memref_slice %arg2[%mul3A_4, %dma_wait3A_105] : memref<128x128xi32, #tpu.memory_space<hbm>> -> memref<4x128xi32, #tpu.memory_space<hbm>>
      tpu.wait_dma2 semaphore(%run_scoped3A : memref<!tpu.dma_semaphore, #tpu.memory_space<semaphore_mem>>) src(%dma_wait3A_106 : memref<4x128xi32, #tpu.memory_space<hbm>>) dst(%arg5 : memref<4x128xi32, #tpu.memory_space<vmem>>)
      tpu.yield
    }) : () -> ()
    %dma_start3A = arith.constant 0 : i32
    %dma_start3A_5 = arith.constant 0 : i32
    %dma_start3A_6 = tpu.memref_slice %arg5[%dma_start3A, %dma_start3A_5] : memref<4x128xi32, #tpu.memory_space<vmem>> -> memref<1x128xi32, #tpu.memory_space<vmem>>
    %dma_start3A_7 = tpu.memref_squeeze %dma_start3A_6 : memref<1x128xi32, #tpu.memory_space<vmem>> -> memref<128xi32, #tpu.memory_space<vmem>>
    %dma_start3A_8 = arith.constant 0 : i32
    %dma_start3A_9 = arith.constant 0 : i32
    %dma_start3A_10 = tpu.memref_slice %arg3[%dma_start3A_8, %dma_start3A_9] : memref<100001x128xf32, #tpu.memory_space<hbm>> -> memref<100001x128xf32, #tpu.memory_space<hbm>>
    tpu.enqueue_indirect_dma source(%dma_start3A_10 : memref<100001x128xf32, #tpu.memory_space<hbm>>) target(%arg6 : memref<128x128xf32, #tpu.memory_space<vmem>>) offsets(%dma_start3A_7 : memref<128xi32, #tpu.memory_space<vmem>>) semaphore(%arg10 : memref<!tpu.dma_semaphore, #tpu.memory_space<semaphore_mem>>)
    %dma_start3A_11 = arith.constant 1 : i32
    %dma_start3A_12 = arith.constant 0 : i32
    %dma_start3A_13 = tpu.memref_slice %arg5[%dma_start3A_11, %dma_start3A_12] : memref<4x128xi32, #tpu.memory_space<vmem>> -> memref<1x128xi32, #tpu.memory_space<vmem>>
    %dma_start3A_14 = tpu.memref_squeeze %dma_start3A_13 : memref<1x128xi32, #tpu.memory_space<vmem>> -> memref<128xi32, #tpu.memory_space<vmem>>
    %dma_start3A_15 = arith.constant 0 : i32
    %dma_start3A_16 = arith.constant 0 : i32
    %dma_start3A_17 = tpu.memref_slice %arg3[%dma_start3A_15, %dma_start3A_16] : memref<100001x128xf32, #tpu.memory_space<hbm>> -> memref<100001x128xf32, #tpu.memory_space<hbm>>
    tpu.enqueue_indirect_dma source(%dma_start3A_17 : memref<100001x128xf32, #tpu.memory_space<hbm>>) target(%arg7 : memref<128x128xf32, #tpu.memory_space<vmem>>) offsets(%dma_start3A_14 : memref<128xi32, #tpu.memory_space<vmem>>) semaphore(%arg10 : memref<!tpu.dma_semaphore, #tpu.memory_space<semaphore_mem>>)
    %dma_start3A_18 = arith.constant 2 : i32
    %dma_start3A_19 = arith.constant 0 : i32
    %dma_start3A_20 = tpu.memref_slice %arg5[%dma_start3A_18, %dma_start3A_19] : memref<4x128xi32, #tpu.memory_space<vmem>> -> memref<1x128xi32, #tpu.memory_space<vmem>>
    %dma_start3A_21 = tpu.memref_squeeze %dma_start3A_20 : memref<1x128xi32, #tpu.memory_space<vmem>> -> memref<128xi32, #tpu.memory_space<vmem>>
    %dma_start3A_22 = arith.constant 0 : i32
    %dma_start3A_23 = arith.constant 0 : i32
    %dma_start3A_24 = tpu.memref_slice %arg3[%dma_start3A_22, %dma_start3A_23] : memref<100001x128xf32, #tpu.memory_space<hbm>> -> memref<100001x128xf32, #tpu.memory_space<hbm>>
    tpu.enqueue_indirect_dma source(%dma_start3A_24 : memref<100001x128xf32, #tpu.memory_space<hbm>>) target(%arg8 : memref<128x128xf32, #tpu.memory_space<vmem>>) offsets(%dma_start3A_21 : memref<128xi32, #tpu.memory_space<vmem>>) semaphore(%arg10 : memref<!tpu.dma_semaphore, #tpu.memory_space<semaphore_mem>>)
    %dma_start3A_25 = arith.constant 3 : i32
    %dma_start3A_26 = arith.constant 0 : i32
    %dma_start3A_27 = tpu.memref_slice %arg5[%dma_start3A_25, %dma_start3A_26] : memref<4x128xi32, #tpu.memory_space<vmem>> -> memref<1x128xi32, #tpu.memory_space<vmem>>
    %dma_start3A_28 = tpu.memref_squeeze %dma_start3A_27 : memref<1x128xi32, #tpu.memory_space<vmem>> -> memref<128xi32, #tpu.memory_space<vmem>>
    %dma_start3A_29 = arith.constant 0 : i32
    %dma_start3A_30 = arith.constant 0 : i32
    %dma_start3A_31 = tpu.memref_slice %arg3[%dma_start3A_29, %dma_start3A_30] : memref<100001x128xf32, #tpu.memory_space<hbm>> -> memref<100001x128xf32, #tpu.memory_space<hbm>>
    tpu.enqueue_indirect_dma source(%dma_start3A_31 : memref<100001x128xf32, #tpu.memory_space<hbm>>) target(%arg9 : memref<128x128xf32, #tpu.memory_space<vmem>>) offsets(%dma_start3A_28 : memref<128xi32, #tpu.memory_space<vmem>>) semaphore(%arg10 : memref<!tpu.dma_semaphore, #tpu.memory_space<semaphore_mem>>)
    %dma_wait3A = arith.constant 0 : i32
    %dma_wait3A_32 = arith.constant 0 : i32
    %dma_wait3A_33 = tpu.memref_slice %arg5[%dma_wait3A, %dma_wait3A_32] : memref<4x128xi32, #tpu.memory_space<vmem>> -> memref<1x128xi32, #tpu.memory_space<vmem>>
    %dma_wait3A_34 = tpu.memref_squeeze %dma_wait3A_33 : memref<1x128xi32, #tpu.memory_space<vmem>> -> memref<128xi32, #tpu.memory_space<vmem>>
    %dma_wait3A_35 = arith.constant 0 : i32
    %dma_wait3A_36 = arith.constant 0 : i32
    %dma_wait3A_37 = tpu.memref_slice %arg3[%dma_wait3A_35, %dma_wait3A_36] : memref<100001x128xf32, #tpu.memory_space<hbm>> -> memref<100001x128xf32, #tpu.memory_space<hbm>>
    tpu.wait_indirect_dma semaphore(%arg10 : memref<!tpu.dma_semaphore, #tpu.memory_space<semaphore_mem>>) src(%dma_wait3A_37 : memref<100001x128xf32, #tpu.memory_space<hbm>>) dst(%arg6 : memref<128x128xf32, #tpu.memory_space<vmem>>)
    %dma_wait3A_38 = arith.constant 1 : i32
    %dma_wait3A_39 = arith.constant 0 : i32
    %dma_wait3A_40 = tpu.memref_slice %arg5[%dma_wait3A_38, %dma_wait3A_39] : memref<4x128xi32, #tpu.memory_space<vmem>> -> memref<1x128xi32, #tpu.memory_space<vmem>>
    %dma_wait3A_41 = tpu.memref_squeeze %dma_wait3A_40 : memref<1x128xi32, #tpu.memory_space<vmem>> -> memref<128xi32, #tpu.memory_space<vmem>>
    %dma_wait3A_42 = arith.constant 0 : i32
    %dma_wait3A_43 = arith.constant 0 : i32
    %dma_wait3A_44 = tpu.memref_slice %arg3[%dma_wait3A_42, %dma_wait3A_43] : memref<100001x128xf32, #tpu.memory_space<hbm>> -> memref<100001x128xf32, #tpu.memory_space<hbm>>
    tpu.wait_indirect_dma semaphore(%arg10 : memref<!tpu.dma_semaphore, #tpu.memory_space<semaphore_mem>>) src(%dma_wait3A_44 : memref<100001x128xf32, #tpu.memory_space<hbm>>) dst(%arg7 : memref<128x128xf32, #tpu.memory_space<vmem>>)
    %dma_wait3A_45 = arith.constant 2 : i32
    %dma_wait3A_46 = arith.constant 0 : i32
    %dma_wait3A_47 = tpu.memref_slice %arg5[%dma_wait3A_45, %dma_wait3A_46] : memref<4x128xi32, #tpu.memory_space<vmem>> -> memref<1x128xi32, #tpu.memory_space<vmem>>
    %dma_wait3A_48 = tpu.memref_squeeze %dma_wait3A_47 : memref<1x128xi32, #tpu.memory_space<vmem>> -> memref<128xi32, #tpu.memory_space<vmem>>
    %dma_wait3A_49 = arith.constant 0 : i32
    %dma_wait3A_50 = arith.constant 0 : i32
    %dma_wait3A_51 = tpu.memref_slice %arg3[%dma_wait3A_49, %dma_wait3A_50] : memref<100001x128xf32, #tpu.memory_space<hbm>> -> memref<100001x128xf32, #tpu.memory_space<hbm>>
    tpu.wait_indirect_dma semaphore(%arg10 : memref<!tpu.dma_semaphore, #tpu.memory_space<semaphore_mem>>) src(%dma_wait3A_51 : memref<100001x128xf32, #tpu.memory_space<hbm>>) dst(%arg8 : memref<128x128xf32, #tpu.memory_space<vmem>>)
    %dma_wait3A_52 = arith.constant 3 : i32
    %dma_wait3A_53 = arith.constant 0 : i32
    %dma_wait3A_54 = tpu.memref_slice %arg5[%dma_wait3A_52, %dma_wait3A_53] : memref<4x128xi32, #tpu.memory_space<vmem>> -> memref<1x128xi32, #tpu.memory_space<vmem>>
    %dma_wait3A_55 = tpu.memref_squeeze %dma_wait3A_54 : memref<1x128xi32, #tpu.memory_space<vmem>> -> memref<128xi32, #tpu.memory_space<vmem>>
    %dma_wait3A_56 = arith.constant 0 : i32
    %dma_wait3A_57 = arith.constant 0 : i32
    %dma_wait3A_58 = tpu.memref_slice %arg3[%dma_wait3A_56, %dma_wait3A_57] : memref<100001x128xf32, #tpu.memory_space<hbm>> -> memref<100001x128xf32, #tpu.memory_space<hbm>>
    tpu.wait_indirect_dma semaphore(%arg10 : memref<!tpu.dma_semaphore, #tpu.memory_space<semaphore_mem>>) src(%dma_wait3A_58 : memref<100001x128xf32, #tpu.memory_space<hbm>>) dst(%arg9 : memref<128x128xf32, #tpu.memory_space<vmem>>)
    %add3A_59 = arith.constant 0 : i32
    %add3A_60 = arith.addi %mul3A_2, %add3A_59 : i32
    %dma_start3A_61 = arith.constant 0 : i32
    %dma_start3A_62 = tpu.memref_slice %arg4[%add3A_60, %dma_start3A_61] : memref<16384x128xf32, #tpu.memory_space<hbm>> -> memref<128x128xf32, #tpu.memory_space<hbm>>
    %dma_start3A_63 = arith.constant 0 : i32
    %dma_start3A_64 = tpu.memref_slice %arg4[%add3A_60, %dma_start3A_63] : memref<16384x128xf32, #tpu.memory_space<hbm>> -> memref<128x128xf32, #tpu.memory_space<hbm>>
    tpu.enqueue_dma source(%arg6 : memref<128x128xf32, #tpu.memory_space<vmem>>) target(%dma_start3A_64 : memref<128x128xf32, #tpu.memory_space<hbm>>) target_semaphore(%arg10 : memref<!tpu.dma_semaphore, #tpu.memory_space<semaphore_mem>>)
    %add3A_65 = arith.constant 128 : i32
    %add3A_66 = arith.addi %mul3A_2, %add3A_65 : i32
    %dma_start3A_67 = arith.constant 0 : i32
    %dma_start3A_68 = tpu.memref_slice %arg4[%add3A_66, %dma_start3A_67] : memref<16384x128xf32, #tpu.memory_space<hbm>> -> memref<128x128xf32, #tpu.memory_space<hbm>>
    %dma_start3A_69 = arith.constant 0 : i32
    %dma_start3A_70 = tpu.memref_slice %arg4[%add3A_66, %dma_start3A_69] : memref<16384x128xf32, #tpu.memory_space<hbm>> -> memref<128x128xf32, #tpu.memory_space<hbm>>
    tpu.enqueue_dma source(%arg7 : memref<128x128xf32, #tpu.memory_space<vmem>>) target(%dma_start3A_70 : memref<128x128xf32, #tpu.memory_space<hbm>>) target_semaphore(%arg10 : memref<!tpu.dma_semaphore, #tpu.memory_space<semaphore_mem>>)
    %add3A_71 = arith.constant 256 : i32
    %add3A_72 = arith.addi %mul3A_2, %add3A_71 : i32
    %dma_start3A_73 = arith.constant 0 : i32
    %dma_start3A_74 = tpu.memref_slice %arg4[%add3A_72, %dma_start3A_73] : memref<16384x128xf32, #tpu.memory_space<hbm>> -> memref<128x128xf32, #tpu.memory_space<hbm>>
    %dma_start3A_75 = arith.constant 0 : i32
    %dma_start3A_76 = tpu.memref_slice %arg4[%add3A_72, %dma_start3A_75] : memref<16384x128xf32, #tpu.memory_space<hbm>> -> memref<128x128xf32, #tpu.memory_space<hbm>>
    tpu.enqueue_dma source(%arg8 : memref<128x128xf32, #tpu.memory_space<vmem>>) target(%dma_start3A_76 : memref<128x128xf32, #tpu.memory_space<hbm>>) target_semaphore(%arg10 : memref<!tpu.dma_semaphore, #tpu.memory_space<semaphore_mem>>)
    %add3A_77 = arith.constant 384 : i32
    %add3A_78 = arith.addi %mul3A_2, %add3A_77 : i32
    %dma_start3A_79 = arith.constant 0 : i32
    %dma_start3A_80 = tpu.memref_slice %arg4[%add3A_78, %dma_start3A_79] : memref<16384x128xf32, #tpu.memory_space<hbm>> -> memref<128x128xf32, #tpu.memory_space<hbm>>
    %dma_start3A_81 = arith.constant 0 : i32
    %dma_start3A_82 = tpu.memref_slice %arg4[%add3A_78, %dma_start3A_81] : memref<16384x128xf32, #tpu.memory_space<hbm>> -> memref<128x128xf32, #tpu.memory_space<hbm>>
    tpu.enqueue_dma source(%arg9 : memref<128x128xf32, #tpu.memory_space<vmem>>) target(%dma_start3A_82 : memref<128x128xf32, #tpu.memory_space<hbm>>) target_semaphore(%arg10 : memref<!tpu.dma_semaphore, #tpu.memory_space<semaphore_mem>>)
    %dma_wait3A_83 = arith.constant 0 : i32
    %dma_wait3A_84 = tpu.memref_slice %arg4[%add3A_60, %dma_wait3A_83] : memref<16384x128xf32, #tpu.memory_space<hbm>> -> memref<128x128xf32, #tpu.memory_space<hbm>>
    %dma_wait3A_85 = arith.constant 0 : i32
    %dma_wait3A_86 = tpu.memref_slice %arg4[%add3A_60, %dma_wait3A_85] : memref<16384x128xf32, #tpu.memory_space<hbm>> -> memref<128x128xf32, #tpu.memory_space<hbm>>
    tpu.wait_dma2 semaphore(%arg10 : memref<!tpu.dma_semaphore, #tpu.memory_space<semaphore_mem>>) src(%arg6 : memref<128x128xf32, #tpu.memory_space<vmem>>) dst(%dma_wait3A_86 : memref<128x128xf32, #tpu.memory_space<hbm>>)
    %dma_wait3A_87 = arith.constant 0 : i32
    %dma_wait3A_88 = tpu.memref_slice %arg4[%add3A_66, %dma_wait3A_87] : memref<16384x128xf32, #tpu.memory_space<hbm>> -> memref<128x128xf32, #tpu.memory_space<hbm>>
    %dma_wait3A_89 = arith.constant 0 : i32
    %dma_wait3A_90 = tpu.memref_slice %arg4[%add3A_66, %dma_wait3A_89] : memref<16384x128xf32, #tpu.memory_space<hbm>> -> memref<128x128xf32, #tpu.memory_space<hbm>>
    tpu.wait_dma2 semaphore(%arg10 : memref<!tpu.dma_semaphore, #tpu.memory_space<semaphore_mem>>) src(%arg7 : memref<128x128xf32, #tpu.memory_space<vmem>>) dst(%dma_wait3A_90 : memref<128x128xf32, #tpu.memory_space<hbm>>)
    %dma_wait3A_91 = arith.constant 0 : i32
    %dma_wait3A_92 = tpu.memref_slice %arg4[%add3A_72, %dma_wait3A_91] : memref<16384x128xf32, #tpu.memory_space<hbm>> -> memref<128x128xf32, #tpu.memory_space<hbm>>
    %dma_wait3A_93 = arith.constant 0 : i32
    %dma_wait3A_94 = tpu.memref_slice %arg4[%add3A_72, %dma_wait3A_93] : memref<16384x128xf32, #tpu.memory_space<hbm>> -> memref<128x128xf32, #tpu.memory_space<hbm>>
    tpu.wait_dma2 semaphore(%arg10 : memref<!tpu.dma_semaphore, #tpu.memory_space<semaphore_mem>>) src(%arg8 : memref<128x128xf32, #tpu.memory_space<vmem>>) dst(%dma_wait3A_94 : memref<128x128xf32, #tpu.memory_space<hbm>>)
    %dma_wait3A_95 = arith.constant 0 : i32
    %dma_wait3A_96 = tpu.memref_slice %arg4[%add3A_78, %dma_wait3A_95] : memref<16384x128xf32, #tpu.memory_space<hbm>> -> memref<128x128xf32, #tpu.memory_space<hbm>>
    %dma_wait3A_97 = arith.constant 0 : i32
    %dma_wait3A_98 = tpu.memref_slice %arg4[%add3A_78, %dma_wait3A_97] : memref<16384x128xf32, #tpu.memory_space<hbm>> -> memref<128x128xf32, #tpu.memory_space<hbm>>
    tpu.wait_dma2 semaphore(%arg10 : memref<!tpu.dma_semaphore, #tpu.memory_space<semaphore_mem>>) src(%arg9 : memref<128x128xf32, #tpu.memory_space<vmem>>) dst(%dma_wait3A_98 : memref<128x128xf32, #tpu.memory_space<hbm>>)
    return
  }
}

#map = affine_map<(d0, d1) -> (0, 0)>
module attributes {stable_mosaic.version = 14 : i64} {
  func.func @_sc_gather_body(%arg0: i32, %arg1: i32, %arg2: memref<128x128xi32, #tpu.memory_space<hbm>>, %arg3: memref<100001x8xf32, #tpu.memory_space<hbm>>, %arg4: memref<100001x16xf32, #tpu.memory_space<hbm>>, %arg5: memref<100001x32xf32, #tpu.memory_space<hbm>>, %arg6: memref<100001x64xf32, #tpu.memory_space<hbm>>, %arg7: memref<16384x128xf32, #tpu.memory_space<hbm>>, %arg8: memref<4x128xi32, #tpu.memory_space<vmem>>, %arg9: memref<512x8xf32, #tpu.memory_space<vmem>>, %arg10: memref<512x16xf32, #tpu.memory_space<vmem>>, %arg11: memref<512x32xf32, #tpu.memory_space<vmem>>, %arg12: memref<512x64xf32, #tpu.memory_space<vmem>>, %arg13: memref<!tpu.dma_semaphore, #tpu.memory_space<semaphore_mem>>) attributes {dimension_semantics = [#tpu.dimension_semantics<core_parallel>, #tpu.dimension_semantics<subcore_parallel>], iteration_bounds = array<i64: 2, 16>, scalar_prefetch = 0 : i64, scratch_operands = 6 : i64, tpu.core_type = #tpu.core_type<sc_vector_subcore>, window_params = [{transform_indices = #map}, {transform_indices = #map}, {transform_indices = #map}, {transform_indices = #map}, {transform_indices = #map}, {transform_indices = #map}]} {
    %mul3A = arith.constant 2 : i32
    %mul3A_0 = arith.muli %arg1, %mul3A : i32
    %add3A = arith.addi %mul3A_0, %arg0 : i32
    %mul3A_1 = arith.constant 512 : i32
    %mul3A_2 = arith.muli %add3A, %mul3A_1 : i32
    %mul3A_3 = arith.constant 4 : i32
    %mul3A_4 = arith.muli %add3A, %mul3A_3 : i32
    "tpu.region"() ({
      %run_scoped3A = tpu.sem_alloc : memref<!tpu.dma_semaphore, #tpu.memory_space<semaphore_mem>>
      %dma_start3A_355 = arith.constant 0 : i32
      %dma_start3A_356 = tpu.memref_slice %arg2[%mul3A_4, %dma_start3A_355] : memref<128x128xi32, #tpu.memory_space<hbm>> -> memref<4x128xi32, #tpu.memory_space<hbm>>
      %dma_start3A_357 = arith.constant 0 : i32
      %dma_start3A_358 = tpu.memref_slice %arg2[%mul3A_4, %dma_start3A_357] : memref<128x128xi32, #tpu.memory_space<hbm>> -> memref<4x128xi32, #tpu.memory_space<hbm>>
      tpu.enqueue_dma source(%dma_start3A_358 : memref<4x128xi32, #tpu.memory_space<hbm>>) target(%arg8 : memref<4x128xi32, #tpu.memory_space<vmem>>) target_semaphore(%run_scoped3A : memref<!tpu.dma_semaphore, #tpu.memory_space<semaphore_mem>>)
      %dma_wait3A_359 = arith.constant 0 : i32
      %dma_wait3A_360 = tpu.memref_slice %arg2[%mul3A_4, %dma_wait3A_359] : memref<128x128xi32, #tpu.memory_space<hbm>> -> memref<4x128xi32, #tpu.memory_space<hbm>>
      %dma_wait3A_361 = arith.constant 0 : i32
      %dma_wait3A_362 = tpu.memref_slice %arg2[%mul3A_4, %dma_wait3A_361] : memref<128x128xi32, #tpu.memory_space<hbm>> -> memref<4x128xi32, #tpu.memory_space<hbm>>
      tpu.wait_dma2 semaphore(%run_scoped3A : memref<!tpu.dma_semaphore, #tpu.memory_space<semaphore_mem>>) src(%dma_wait3A_362 : memref<4x128xi32, #tpu.memory_space<hbm>>) dst(%arg8 : memref<4x128xi32, #tpu.memory_space<vmem>>)
      tpu.yield
    }) : () -> ()
    %dma_start3A = arith.constant 0 : i32
    %dma_start3A_5 = arith.constant 0 : i32
    %dma_start3A_6 = arith.constant 0 : i32
    %dma_start3A_7 = tpu.memref_slice %arg9[%dma_start3A_5, %dma_start3A_6] : memref<512x8xf32, #tpu.memory_space<vmem>> -> memref<128x8xf32, #tpu.memory_space<vmem>>
    %dma_start3A_8 = arith.constant 0 : i32
    %dma_start3A_9 = tpu.memref_slice %arg8[%dma_start3A, %dma_start3A_8] : memref<4x128xi32, #tpu.memory_space<vmem>> -> memref<1x128xi32, #tpu.memory_space<vmem>>
    %dma_start3A_10 = tpu.memref_squeeze %dma_start3A_9 : memref<1x128xi32, #tpu.memory_space<vmem>> -> memref<128xi32, #tpu.memory_space<vmem>>
    %dma_start3A_11 = arith.constant 0 : i32
    %dma_start3A_12 = arith.constant 0 : i32
    %dma_start3A_13 = tpu.memref_slice %arg3[%dma_start3A_11, %dma_start3A_12] : memref<100001x8xf32, #tpu.memory_space<hbm>> -> memref<100001x8xf32, #tpu.memory_space<hbm>>
    tpu.enqueue_indirect_dma source(%dma_start3A_13 : memref<100001x8xf32, #tpu.memory_space<hbm>>) target(%dma_start3A_7 : memref<128x8xf32, #tpu.memory_space<vmem>>) offsets(%dma_start3A_10 : memref<128xi32, #tpu.memory_space<vmem>>) semaphore(%arg13 : memref<!tpu.dma_semaphore, #tpu.memory_space<semaphore_mem>>)
    %dma_start3A_14 = arith.constant 1 : i32
    %dma_start3A_15 = arith.constant 128 : i32
    %dma_start3A_16 = arith.constant 0 : i32
    %dma_start3A_17 = tpu.memref_slice %arg9[%dma_start3A_15, %dma_start3A_16] : memref<512x8xf32, #tpu.memory_space<vmem>> -> memref<128x8xf32, #tpu.memory_space<vmem>>
    %dma_start3A_18 = arith.constant 0 : i32
    %dma_start3A_19 = tpu.memref_slice %arg8[%dma_start3A_14, %dma_start3A_18] : memref<4x128xi32, #tpu.memory_space<vmem>> -> memref<1x128xi32, #tpu.memory_space<vmem>>
    %dma_start3A_20 = tpu.memref_squeeze %dma_start3A_19 : memref<1x128xi32, #tpu.memory_space<vmem>> -> memref<128xi32, #tpu.memory_space<vmem>>
    %dma_start3A_21 = arith.constant 0 : i32
    %dma_start3A_22 = arith.constant 0 : i32
    %dma_start3A_23 = tpu.memref_slice %arg3[%dma_start3A_21, %dma_start3A_22] : memref<100001x8xf32, #tpu.memory_space<hbm>> -> memref<100001x8xf32, #tpu.memory_space<hbm>>
    tpu.enqueue_indirect_dma source(%dma_start3A_23 : memref<100001x8xf32, #tpu.memory_space<hbm>>) target(%dma_start3A_17 : memref<128x8xf32, #tpu.memory_space<vmem>>) offsets(%dma_start3A_20 : memref<128xi32, #tpu.memory_space<vmem>>) semaphore(%arg13 : memref<!tpu.dma_semaphore, #tpu.memory_space<semaphore_mem>>)
    %dma_start3A_24 = arith.constant 2 : i32
    %dma_start3A_25 = arith.constant 256 : i32
    %dma_start3A_26 = arith.constant 0 : i32
    %dma_start3A_27 = tpu.memref_slice %arg9[%dma_start3A_25, %dma_start3A_26] : memref<512x8xf32, #tpu.memory_space<vmem>> -> memref<128x8xf32, #tpu.memory_space<vmem>>
    %dma_start3A_28 = arith.constant 0 : i32
    %dma_start3A_29 = tpu.memref_slice %arg8[%dma_start3A_24, %dma_start3A_28] : memref<4x128xi32, #tpu.memory_space<vmem>> -> memref<1x128xi32, #tpu.memory_space<vmem>>
    %dma_start3A_30 = tpu.memref_squeeze %dma_start3A_29 : memref<1x128xi32, #tpu.memory_space<vmem>> -> memref<128xi32, #tpu.memory_space<vmem>>
    %dma_start3A_31 = arith.constant 0 : i32
    %dma_start3A_32 = arith.constant 0 : i32
    %dma_start3A_33 = tpu.memref_slice %arg3[%dma_start3A_31, %dma_start3A_32] : memref<100001x8xf32, #tpu.memory_space<hbm>> -> memref<100001x8xf32, #tpu.memory_space<hbm>>
    tpu.enqueue_indirect_dma source(%dma_start3A_33 : memref<100001x8xf32, #tpu.memory_space<hbm>>) target(%dma_start3A_27 : memref<128x8xf32, #tpu.memory_space<vmem>>) offsets(%dma_start3A_30 : memref<128xi32, #tpu.memory_space<vmem>>) semaphore(%arg13 : memref<!tpu.dma_semaphore, #tpu.memory_space<semaphore_mem>>)
    %dma_start3A_34 = arith.constant 3 : i32
    %dma_start3A_35 = arith.constant 384 : i32
    %dma_start3A_36 = arith.constant 0 : i32
    %dma_start3A_37 = tpu.memref_slice %arg9[%dma_start3A_35, %dma_start3A_36] : memref<512x8xf32, #tpu.memory_space<vmem>> -> memref<128x8xf32, #tpu.memory_space<vmem>>
    %dma_start3A_38 = arith.constant 0 : i32
    %dma_start3A_39 = tpu.memref_slice %arg8[%dma_start3A_34, %dma_start3A_38] : memref<4x128xi32, #tpu.memory_space<vmem>> -> memref<1x128xi32, #tpu.memory_space<vmem>>
    %dma_start3A_40 = tpu.memref_squeeze %dma_start3A_39 : memref<1x128xi32, #tpu.memory_space<vmem>> -> memref<128xi32, #tpu.memory_space<vmem>>
    %dma_start3A_41 = arith.constant 0 : i32
    %dma_start3A_42 = arith.constant 0 : i32
    %dma_start3A_43 = tpu.memref_slice %arg3[%dma_start3A_41, %dma_start3A_42] : memref<100001x8xf32, #tpu.memory_space<hbm>> -> memref<100001x8xf32, #tpu.memory_space<hbm>>
    tpu.enqueue_indirect_dma source(%dma_start3A_43 : memref<100001x8xf32, #tpu.memory_space<hbm>>) target(%dma_start3A_37 : memref<128x8xf32, #tpu.memory_space<vmem>>) offsets(%dma_start3A_40 : memref<128xi32, #tpu.memory_space<vmem>>) semaphore(%arg13 : memref<!tpu.dma_semaphore, #tpu.memory_space<semaphore_mem>>)
    %dma_start3A_44 = arith.constant 0 : i32
    %dma_start3A_45 = arith.constant 0 : i32
    %dma_start3A_46 = arith.constant 0 : i32
    %dma_start3A_47 = tpu.memref_slice %arg10[%dma_start3A_45, %dma_start3A_46] : memref<512x16xf32, #tpu.memory_space<vmem>> -> memref<128x16xf32, #tpu.memory_space<vmem>>
    %dma_start3A_48 = arith.constant 0 : i32
    %dma_start3A_49 = tpu.memref_slice %arg8[%dma_start3A_44, %dma_start3A_48] : memref<4x128xi32, #tpu.memory_space<vmem>> -> memref<1x128xi32, #tpu.memory_space<vmem>>
    %dma_start3A_50 = tpu.memref_squeeze %dma_start3A_49 : memref<1x128xi32, #tpu.memory_space<vmem>> -> memref<128xi32, #tpu.memory_space<vmem>>
    %dma_start3A_51 = arith.constant 0 : i32
    %dma_start3A_52 = arith.constant 0 : i32
    %dma_start3A_53 = tpu.memref_slice %arg4[%dma_start3A_51, %dma_start3A_52] : memref<100001x16xf32, #tpu.memory_space<hbm>> -> memref<100001x16xf32, #tpu.memory_space<hbm>>
    tpu.enqueue_indirect_dma source(%dma_start3A_53 : memref<100001x16xf32, #tpu.memory_space<hbm>>) target(%dma_start3A_47 : memref<128x16xf32, #tpu.memory_space<vmem>>) offsets(%dma_start3A_50 : memref<128xi32, #tpu.memory_space<vmem>>) semaphore(%arg13 : memref<!tpu.dma_semaphore, #tpu.memory_space<semaphore_mem>>)
    %dma_start3A_54 = arith.constant 1 : i32
    %dma_start3A_55 = arith.constant 128 : i32
    %dma_start3A_56 = arith.constant 0 : i32
    %dma_start3A_57 = tpu.memref_slice %arg10[%dma_start3A_55, %dma_start3A_56] : memref<512x16xf32, #tpu.memory_space<vmem>> -> memref<128x16xf32, #tpu.memory_space<vmem>>
    %dma_start3A_58 = arith.constant 0 : i32
    %dma_start3A_59 = tpu.memref_slice %arg8[%dma_start3A_54, %dma_start3A_58] : memref<4x128xi32, #tpu.memory_space<vmem>> -> memref<1x128xi32, #tpu.memory_space<vmem>>
    %dma_start3A_60 = tpu.memref_squeeze %dma_start3A_59 : memref<1x128xi32, #tpu.memory_space<vmem>> -> memref<128xi32, #tpu.memory_space<vmem>>
    %dma_start3A_61 = arith.constant 0 : i32
    %dma_start3A_62 = arith.constant 0 : i32
    %dma_start3A_63 = tpu.memref_slice %arg4[%dma_start3A_61, %dma_start3A_62] : memref<100001x16xf32, #tpu.memory_space<hbm>> -> memref<100001x16xf32, #tpu.memory_space<hbm>>
    tpu.enqueue_indirect_dma source(%dma_start3A_63 : memref<100001x16xf32, #tpu.memory_space<hbm>>) target(%dma_start3A_57 : memref<128x16xf32, #tpu.memory_space<vmem>>) offsets(%dma_start3A_60 : memref<128xi32, #tpu.memory_space<vmem>>) semaphore(%arg13 : memref<!tpu.dma_semaphore, #tpu.memory_space<semaphore_mem>>)
    %dma_start3A_64 = arith.constant 2 : i32
    %dma_start3A_65 = arith.constant 256 : i32
    %dma_start3A_66 = arith.constant 0 : i32
    %dma_start3A_67 = tpu.memref_slice %arg10[%dma_start3A_65, %dma_start3A_66] : memref<512x16xf32, #tpu.memory_space<vmem>> -> memref<128x16xf32, #tpu.memory_space<vmem>>
    %dma_start3A_68 = arith.constant 0 : i32
    %dma_start3A_69 = tpu.memref_slice %arg8[%dma_start3A_64, %dma_start3A_68] : memref<4x128xi32, #tpu.memory_space<vmem>> -> memref<1x128xi32, #tpu.memory_space<vmem>>
    %dma_start3A_70 = tpu.memref_squeeze %dma_start3A_69 : memref<1x128xi32, #tpu.memory_space<vmem>> -> memref<128xi32, #tpu.memory_space<vmem>>
    %dma_start3A_71 = arith.constant 0 : i32
    %dma_start3A_72 = arith.constant 0 : i32
    %dma_start3A_73 = tpu.memref_slice %arg4[%dma_start3A_71, %dma_start3A_72] : memref<100001x16xf32, #tpu.memory_space<hbm>> -> memref<100001x16xf32, #tpu.memory_space<hbm>>
    tpu.enqueue_indirect_dma source(%dma_start3A_73 : memref<100001x16xf32, #tpu.memory_space<hbm>>) target(%dma_start3A_67 : memref<128x16xf32, #tpu.memory_space<vmem>>) offsets(%dma_start3A_70 : memref<128xi32, #tpu.memory_space<vmem>>) semaphore(%arg13 : memref<!tpu.dma_semaphore, #tpu.memory_space<semaphore_mem>>)
    %dma_start3A_74 = arith.constant 3 : i32
    %dma_start3A_75 = arith.constant 384 : i32
    %dma_start3A_76 = arith.constant 0 : i32
    %dma_start3A_77 = tpu.memref_slice %arg10[%dma_start3A_75, %dma_start3A_76] : memref<512x16xf32, #tpu.memory_space<vmem>> -> memref<128x16xf32, #tpu.memory_space<vmem>>
    %dma_start3A_78 = arith.constant 0 : i32
    %dma_start3A_79 = tpu.memref_slice %arg8[%dma_start3A_74, %dma_start3A_78] : memref<4x128xi32, #tpu.memory_space<vmem>> -> memref<1x128xi32, #tpu.memory_space<vmem>>
    %dma_start3A_80 = tpu.memref_squeeze %dma_start3A_79 : memref<1x128xi32, #tpu.memory_space<vmem>> -> memref<128xi32, #tpu.memory_space<vmem>>
    %dma_start3A_81 = arith.constant 0 : i32
    %dma_start3A_82 = arith.constant 0 : i32
    %dma_start3A_83 = tpu.memref_slice %arg4[%dma_start3A_81, %dma_start3A_82] : memref<100001x16xf32, #tpu.memory_space<hbm>> -> memref<100001x16xf32, #tpu.memory_space<hbm>>
    tpu.enqueue_indirect_dma source(%dma_start3A_83 : memref<100001x16xf32, #tpu.memory_space<hbm>>) target(%dma_start3A_77 : memref<128x16xf32, #tpu.memory_space<vmem>>) offsets(%dma_start3A_80 : memref<128xi32, #tpu.memory_space<vmem>>) semaphore(%arg13 : memref<!tpu.dma_semaphore, #tpu.memory_space<semaphore_mem>>)
    %dma_start3A_84 = arith.constant 0 : i32
    %dma_start3A_85 = arith.constant 0 : i32
    %dma_start3A_86 = arith.constant 0 : i32
    %dma_start3A_87 = tpu.memref_slice %arg11[%dma_start3A_85, %dma_start3A_86] : memref<512x32xf32, #tpu.memory_space<vmem>> -> memref<128x32xf32, #tpu.memory_space<vmem>>
    %dma_start3A_88 = arith.constant 0 : i32
    %dma_start3A_89 = tpu.memref_slice %arg8[%dma_start3A_84, %dma_start3A_88] : memref<4x128xi32, #tpu.memory_space<vmem>> -> memref<1x128xi32, #tpu.memory_space<vmem>>
    %dma_start3A_90 = tpu.memref_squeeze %dma_start3A_89 : memref<1x128xi32, #tpu.memory_space<vmem>> -> memref<128xi32, #tpu.memory_space<vmem>>
    %dma_start3A_91 = arith.constant 0 : i32
    %dma_start3A_92 = arith.constant 0 : i32
    %dma_start3A_93 = tpu.memref_slice %arg5[%dma_start3A_91, %dma_start3A_92] : memref<100001x32xf32, #tpu.memory_space<hbm>> -> memref<100001x32xf32, #tpu.memory_space<hbm>>
    tpu.enqueue_indirect_dma source(%dma_start3A_93 : memref<100001x32xf32, #tpu.memory_space<hbm>>) target(%dma_start3A_87 : memref<128x32xf32, #tpu.memory_space<vmem>>) offsets(%dma_start3A_90 : memref<128xi32, #tpu.memory_space<vmem>>) semaphore(%arg13 : memref<!tpu.dma_semaphore, #tpu.memory_space<semaphore_mem>>)
    %dma_start3A_94 = arith.constant 1 : i32
    %dma_start3A_95 = arith.constant 128 : i32
    %dma_start3A_96 = arith.constant 0 : i32
    %dma_start3A_97 = tpu.memref_slice %arg11[%dma_start3A_95, %dma_start3A_96] : memref<512x32xf32, #tpu.memory_space<vmem>> -> memref<128x32xf32, #tpu.memory_space<vmem>>
    %dma_start3A_98 = arith.constant 0 : i32
    %dma_start3A_99 = tpu.memref_slice %arg8[%dma_start3A_94, %dma_start3A_98] : memref<4x128xi32, #tpu.memory_space<vmem>> -> memref<1x128xi32, #tpu.memory_space<vmem>>
    %dma_start3A_100 = tpu.memref_squeeze %dma_start3A_99 : memref<1x128xi32, #tpu.memory_space<vmem>> -> memref<128xi32, #tpu.memory_space<vmem>>
    %dma_start3A_101 = arith.constant 0 : i32
    %dma_start3A_102 = arith.constant 0 : i32
    %dma_start3A_103 = tpu.memref_slice %arg5[%dma_start3A_101, %dma_start3A_102] : memref<100001x32xf32, #tpu.memory_space<hbm>> -> memref<100001x32xf32, #tpu.memory_space<hbm>>
    tpu.enqueue_indirect_dma source(%dma_start3A_103 : memref<100001x32xf32, #tpu.memory_space<hbm>>) target(%dma_start3A_97 : memref<128x32xf32, #tpu.memory_space<vmem>>) offsets(%dma_start3A_100 : memref<128xi32, #tpu.memory_space<vmem>>) semaphore(%arg13 : memref<!tpu.dma_semaphore, #tpu.memory_space<semaphore_mem>>)
    %dma_start3A_104 = arith.constant 2 : i32
    %dma_start3A_105 = arith.constant 256 : i32
    %dma_start3A_106 = arith.constant 0 : i32
    %dma_start3A_107 = tpu.memref_slice %arg11[%dma_start3A_105, %dma_start3A_106] : memref<512x32xf32, #tpu.memory_space<vmem>> -> memref<128x32xf32, #tpu.memory_space<vmem>>
    %dma_start3A_108 = arith.constant 0 : i32
    %dma_start3A_109 = tpu.memref_slice %arg8[%dma_start3A_104, %dma_start3A_108] : memref<4x128xi32, #tpu.memory_space<vmem>> -> memref<1x128xi32, #tpu.memory_space<vmem>>
    %dma_start3A_110 = tpu.memref_squeeze %dma_start3A_109 : memref<1x128xi32, #tpu.memory_space<vmem>> -> memref<128xi32, #tpu.memory_space<vmem>>
    %dma_start3A_111 = arith.constant 0 : i32
    %dma_start3A_112 = arith.constant 0 : i32
    %dma_start3A_113 = tpu.memref_slice %arg5[%dma_start3A_111, %dma_start3A_112] : memref<100001x32xf32, #tpu.memory_space<hbm>> -> memref<100001x32xf32, #tpu.memory_space<hbm>>
    tpu.enqueue_indirect_dma source(%dma_start3A_113 : memref<100001x32xf32, #tpu.memory_space<hbm>>) target(%dma_start3A_107 : memref<128x32xf32, #tpu.memory_space<vmem>>) offsets(%dma_start3A_110 : memref<128xi32, #tpu.memory_space<vmem>>) semaphore(%arg13 : memref<!tpu.dma_semaphore, #tpu.memory_space<semaphore_mem>>)
    %dma_start3A_114 = arith.constant 3 : i32
    %dma_start3A_115 = arith.constant 384 : i32
    %dma_start3A_116 = arith.constant 0 : i32
    %dma_start3A_117 = tpu.memref_slice %arg11[%dma_start3A_115, %dma_start3A_116] : memref<512x32xf32, #tpu.memory_space<vmem>> -> memref<128x32xf32, #tpu.memory_space<vmem>>
    %dma_start3A_118 = arith.constant 0 : i32
    %dma_start3A_119 = tpu.memref_slice %arg8[%dma_start3A_114, %dma_start3A_118] : memref<4x128xi32, #tpu.memory_space<vmem>> -> memref<1x128xi32, #tpu.memory_space<vmem>>
    %dma_start3A_120 = tpu.memref_squeeze %dma_start3A_119 : memref<1x128xi32, #tpu.memory_space<vmem>> -> memref<128xi32, #tpu.memory_space<vmem>>
    %dma_start3A_121 = arith.constant 0 : i32
    %dma_start3A_122 = arith.constant 0 : i32
    %dma_start3A_123 = tpu.memref_slice %arg5[%dma_start3A_121, %dma_start3A_122] : memref<100001x32xf32, #tpu.memory_space<hbm>> -> memref<100001x32xf32, #tpu.memory_space<hbm>>
    tpu.enqueue_indirect_dma source(%dma_start3A_123 : memref<100001x32xf32, #tpu.memory_space<hbm>>) target(%dma_start3A_117 : memref<128x32xf32, #tpu.memory_space<vmem>>) offsets(%dma_start3A_120 : memref<128xi32, #tpu.memory_space<vmem>>) semaphore(%arg13 : memref<!tpu.dma_semaphore, #tpu.memory_space<semaphore_mem>>)
    %dma_start3A_124 = arith.constant 0 : i32
    %dma_start3A_125 = arith.constant 0 : i32
    %dma_start3A_126 = arith.constant 0 : i32
    %dma_start3A_127 = tpu.memref_slice %arg12[%dma_start3A_125, %dma_start3A_126] : memref<512x64xf32, #tpu.memory_space<vmem>> -> memref<128x64xf32, #tpu.memory_space<vmem>>
    %dma_start3A_128 = arith.constant 0 : i32
    %dma_start3A_129 = tpu.memref_slice %arg8[%dma_start3A_124, %dma_start3A_128] : memref<4x128xi32, #tpu.memory_space<vmem>> -> memref<1x128xi32, #tpu.memory_space<vmem>>
    %dma_start3A_130 = tpu.memref_squeeze %dma_start3A_129 : memref<1x128xi32, #tpu.memory_space<vmem>> -> memref<128xi32, #tpu.memory_space<vmem>>
    %dma_start3A_131 = arith.constant 0 : i32
    %dma_start3A_132 = arith.constant 0 : i32
    %dma_start3A_133 = tpu.memref_slice %arg6[%dma_start3A_131, %dma_start3A_132] : memref<100001x64xf32, #tpu.memory_space<hbm>> -> memref<100001x64xf32, #tpu.memory_space<hbm>>
    tpu.enqueue_indirect_dma source(%dma_start3A_133 : memref<100001x64xf32, #tpu.memory_space<hbm>>) target(%dma_start3A_127 : memref<128x64xf32, #tpu.memory_space<vmem>>) offsets(%dma_start3A_130 : memref<128xi32, #tpu.memory_space<vmem>>) semaphore(%arg13 : memref<!tpu.dma_semaphore, #tpu.memory_space<semaphore_mem>>)
    %dma_start3A_134 = arith.constant 1 : i32
    %dma_start3A_135 = arith.constant 128 : i32
    %dma_start3A_136 = arith.constant 0 : i32
    %dma_start3A_137 = tpu.memref_slice %arg12[%dma_start3A_135, %dma_start3A_136] : memref<512x64xf32, #tpu.memory_space<vmem>> -> memref<128x64xf32, #tpu.memory_space<vmem>>
    %dma_start3A_138 = arith.constant 0 : i32
    %dma_start3A_139 = tpu.memref_slice %arg8[%dma_start3A_134, %dma_start3A_138] : memref<4x128xi32, #tpu.memory_space<vmem>> -> memref<1x128xi32, #tpu.memory_space<vmem>>
    %dma_start3A_140 = tpu.memref_squeeze %dma_start3A_139 : memref<1x128xi32, #tpu.memory_space<vmem>> -> memref<128xi32, #tpu.memory_space<vmem>>
    %dma_start3A_141 = arith.constant 0 : i32
    %dma_start3A_142 = arith.constant 0 : i32
    %dma_start3A_143 = tpu.memref_slice %arg6[%dma_start3A_141, %dma_start3A_142] : memref<100001x64xf32, #tpu.memory_space<hbm>> -> memref<100001x64xf32, #tpu.memory_space<hbm>>
    tpu.enqueue_indirect_dma source(%dma_start3A_143 : memref<100001x64xf32, #tpu.memory_space<hbm>>) target(%dma_start3A_137 : memref<128x64xf32, #tpu.memory_space<vmem>>) offsets(%dma_start3A_140 : memref<128xi32, #tpu.memory_space<vmem>>) semaphore(%arg13 : memref<!tpu.dma_semaphore, #tpu.memory_space<semaphore_mem>>)
    %dma_start3A_144 = arith.constant 2 : i32
    %dma_start3A_145 = arith.constant 256 : i32
    %dma_start3A_146 = arith.constant 0 : i32
    %dma_start3A_147 = tpu.memref_slice %arg12[%dma_start3A_145, %dma_start3A_146] : memref<512x64xf32, #tpu.memory_space<vmem>> -> memref<128x64xf32, #tpu.memory_space<vmem>>
    %dma_start3A_148 = arith.constant 0 : i32
    %dma_start3A_149 = tpu.memref_slice %arg8[%dma_start3A_144, %dma_start3A_148] : memref<4x128xi32, #tpu.memory_space<vmem>> -> memref<1x128xi32, #tpu.memory_space<vmem>>
    %dma_start3A_150 = tpu.memref_squeeze %dma_start3A_149 : memref<1x128xi32, #tpu.memory_space<vmem>> -> memref<128xi32, #tpu.memory_space<vmem>>
    %dma_start3A_151 = arith.constant 0 : i32
    %dma_start3A_152 = arith.constant 0 : i32
    %dma_start3A_153 = tpu.memref_slice %arg6[%dma_start3A_151, %dma_start3A_152] : memref<100001x64xf32, #tpu.memory_space<hbm>> -> memref<100001x64xf32, #tpu.memory_space<hbm>>
    tpu.enqueue_indirect_dma source(%dma_start3A_153 : memref<100001x64xf32, #tpu.memory_space<hbm>>) target(%dma_start3A_147 : memref<128x64xf32, #tpu.memory_space<vmem>>) offsets(%dma_start3A_150 : memref<128xi32, #tpu.memory_space<vmem>>) semaphore(%arg13 : memref<!tpu.dma_semaphore, #tpu.memory_space<semaphore_mem>>)
    %dma_start3A_154 = arith.constant 3 : i32
    %dma_start3A_155 = arith.constant 384 : i32
    %dma_start3A_156 = arith.constant 0 : i32
    %dma_start3A_157 = tpu.memref_slice %arg12[%dma_start3A_155, %dma_start3A_156] : memref<512x64xf32, #tpu.memory_space<vmem>> -> memref<128x64xf32, #tpu.memory_space<vmem>>
    %dma_start3A_158 = arith.constant 0 : i32
    %dma_start3A_159 = tpu.memref_slice %arg8[%dma_start3A_154, %dma_start3A_158] : memref<4x128xi32, #tpu.memory_space<vmem>> -> memref<1x128xi32, #tpu.memory_space<vmem>>
    %dma_start3A_160 = tpu.memref_squeeze %dma_start3A_159 : memref<1x128xi32, #tpu.memory_space<vmem>> -> memref<128xi32, #tpu.memory_space<vmem>>
    %dma_start3A_161 = arith.constant 0 : i32
    %dma_start3A_162 = arith.constant 0 : i32
    %dma_start3A_163 = tpu.memref_slice %arg6[%dma_start3A_161, %dma_start3A_162] : memref<100001x64xf32, #tpu.memory_space<hbm>> -> memref<100001x64xf32, #tpu.memory_space<hbm>>
    tpu.enqueue_indirect_dma source(%dma_start3A_163 : memref<100001x64xf32, #tpu.memory_space<hbm>>) target(%dma_start3A_157 : memref<128x64xf32, #tpu.memory_space<vmem>>) offsets(%dma_start3A_160 : memref<128xi32, #tpu.memory_space<vmem>>) semaphore(%arg13 : memref<!tpu.dma_semaphore, #tpu.memory_space<semaphore_mem>>)
    %dma_wait3A = arith.constant 0 : i32
    %dma_wait3A_164 = arith.constant 0 : i32
    %dma_wait3A_165 = arith.constant 0 : i32
    %dma_wait3A_166 = tpu.memref_slice %arg9[%dma_wait3A_164, %dma_wait3A_165] : memref<512x8xf32, #tpu.memory_space<vmem>> -> memref<128x8xf32, #tpu.memory_space<vmem>>
    %dma_wait3A_167 = arith.constant 0 : i32
    %dma_wait3A_168 = tpu.memref_slice %arg8[%dma_wait3A, %dma_wait3A_167] : memref<4x128xi32, #tpu.memory_space<vmem>> -> memref<1x128xi32, #tpu.memory_space<vmem>>
    %dma_wait3A_169 = tpu.memref_squeeze %dma_wait3A_168 : memref<1x128xi32, #tpu.memory_space<vmem>> -> memref<128xi32, #tpu.memory_space<vmem>>
    %dma_wait3A_170 = arith.constant 0 : i32
    %dma_wait3A_171 = arith.constant 0 : i32
    %dma_wait3A_172 = tpu.memref_slice %arg3[%dma_wait3A_170, %dma_wait3A_171] : memref<100001x8xf32, #tpu.memory_space<hbm>> -> memref<100001x8xf32, #tpu.memory_space<hbm>>
    tpu.wait_indirect_dma semaphore(%arg13 : memref<!tpu.dma_semaphore, #tpu.memory_space<semaphore_mem>>) src(%dma_wait3A_172 : memref<100001x8xf32, #tpu.memory_space<hbm>>) dst(%dma_wait3A_166 : memref<128x8xf32, #tpu.memory_space<vmem>>)
    %dma_wait3A_173 = arith.constant 1 : i32
    %dma_wait3A_174 = arith.constant 128 : i32
    %dma_wait3A_175 = arith.constant 0 : i32
    %dma_wait3A_176 = tpu.memref_slice %arg9[%dma_wait3A_174, %dma_wait3A_175] : memref<512x8xf32, #tpu.memory_space<vmem>> -> memref<128x8xf32, #tpu.memory_space<vmem>>
    %dma_wait3A_177 = arith.constant 0 : i32
    %dma_wait3A_178 = tpu.memref_slice %arg8[%dma_wait3A_173, %dma_wait3A_177] : memref<4x128xi32, #tpu.memory_space<vmem>> -> memref<1x128xi32, #tpu.memory_space<vmem>>
    %dma_wait3A_179 = tpu.memref_squeeze %dma_wait3A_178 : memref<1x128xi32, #tpu.memory_space<vmem>> -> memref<128xi32, #tpu.memory_space<vmem>>
    %dma_wait3A_180 = arith.constant 0 : i32
    %dma_wait3A_181 = arith.constant 0 : i32
    %dma_wait3A_182 = tpu.memref_slice %arg3[%dma_wait3A_180, %dma_wait3A_181] : memref<100001x8xf32, #tpu.memory_space<hbm>> -> memref<100001x8xf32, #tpu.memory_space<hbm>>
    tpu.wait_indirect_dma semaphore(%arg13 : memref<!tpu.dma_semaphore, #tpu.memory_space<semaphore_mem>>) src(%dma_wait3A_182 : memref<100001x8xf32, #tpu.memory_space<hbm>>) dst(%dma_wait3A_176 : memref<128x8xf32, #tpu.memory_space<vmem>>)
    %dma_wait3A_183 = arith.constant 2 : i32
    %dma_wait3A_184 = arith.constant 256 : i32
    %dma_wait3A_185 = arith.constant 0 : i32
    %dma_wait3A_186 = tpu.memref_slice %arg9[%dma_wait3A_184, %dma_wait3A_185] : memref<512x8xf32, #tpu.memory_space<vmem>> -> memref<128x8xf32, #tpu.memory_space<vmem>>
    %dma_wait3A_187 = arith.constant 0 : i32
    %dma_wait3A_188 = tpu.memref_slice %arg8[%dma_wait3A_183, %dma_wait3A_187] : memref<4x128xi32, #tpu.memory_space<vmem>> -> memref<1x128xi32, #tpu.memory_space<vmem>>
    %dma_wait3A_189 = tpu.memref_squeeze %dma_wait3A_188 : memref<1x128xi32, #tpu.memory_space<vmem>> -> memref<128xi32, #tpu.memory_space<vmem>>
    %dma_wait3A_190 = arith.constant 0 : i32
    %dma_wait3A_191 = arith.constant 0 : i32
    %dma_wait3A_192 = tpu.memref_slice %arg3[%dma_wait3A_190, %dma_wait3A_191] : memref<100001x8xf32, #tpu.memory_space<hbm>> -> memref<100001x8xf32, #tpu.memory_space<hbm>>
    tpu.wait_indirect_dma semaphore(%arg13 : memref<!tpu.dma_semaphore, #tpu.memory_space<semaphore_mem>>) src(%dma_wait3A_192 : memref<100001x8xf32, #tpu.memory_space<hbm>>) dst(%dma_wait3A_186 : memref<128x8xf32, #tpu.memory_space<vmem>>)
    %dma_wait3A_193 = arith.constant 3 : i32
    %dma_wait3A_194 = arith.constant 384 : i32
    %dma_wait3A_195 = arith.constant 0 : i32
    %dma_wait3A_196 = tpu.memref_slice %arg9[%dma_wait3A_194, %dma_wait3A_195] : memref<512x8xf32, #tpu.memory_space<vmem>> -> memref<128x8xf32, #tpu.memory_space<vmem>>
    %dma_wait3A_197 = arith.constant 0 : i32
    %dma_wait3A_198 = tpu.memref_slice %arg8[%dma_wait3A_193, %dma_wait3A_197] : memref<4x128xi32, #tpu.memory_space<vmem>> -> memref<1x128xi32, #tpu.memory_space<vmem>>
    %dma_wait3A_199 = tpu.memref_squeeze %dma_wait3A_198 : memref<1x128xi32, #tpu.memory_space<vmem>> -> memref<128xi32, #tpu.memory_space<vmem>>
    %dma_wait3A_200 = arith.constant 0 : i32
    %dma_wait3A_201 = arith.constant 0 : i32
    %dma_wait3A_202 = tpu.memref_slice %arg3[%dma_wait3A_200, %dma_wait3A_201] : memref<100001x8xf32, #tpu.memory_space<hbm>> -> memref<100001x8xf32, #tpu.memory_space<hbm>>
    tpu.wait_indirect_dma semaphore(%arg13 : memref<!tpu.dma_semaphore, #tpu.memory_space<semaphore_mem>>) src(%dma_wait3A_202 : memref<100001x8xf32, #tpu.memory_space<hbm>>) dst(%dma_wait3A_196 : memref<128x8xf32, #tpu.memory_space<vmem>>)
    %dma_wait3A_203 = arith.constant 0 : i32
    %dma_wait3A_204 = arith.constant 0 : i32
    %dma_wait3A_205 = arith.constant 0 : i32
    %dma_wait3A_206 = tpu.memref_slice %arg10[%dma_wait3A_204, %dma_wait3A_205] : memref<512x16xf32, #tpu.memory_space<vmem>> -> memref<128x16xf32, #tpu.memory_space<vmem>>
    %dma_wait3A_207 = arith.constant 0 : i32
    %dma_wait3A_208 = tpu.memref_slice %arg8[%dma_wait3A_203, %dma_wait3A_207] : memref<4x128xi32, #tpu.memory_space<vmem>> -> memref<1x128xi32, #tpu.memory_space<vmem>>
    %dma_wait3A_209 = tpu.memref_squeeze %dma_wait3A_208 : memref<1x128xi32, #tpu.memory_space<vmem>> -> memref<128xi32, #tpu.memory_space<vmem>>
    %dma_wait3A_210 = arith.constant 0 : i32
    %dma_wait3A_211 = arith.constant 0 : i32
    %dma_wait3A_212 = tpu.memref_slice %arg4[%dma_wait3A_210, %dma_wait3A_211] : memref<100001x16xf32, #tpu.memory_space<hbm>> -> memref<100001x16xf32, #tpu.memory_space<hbm>>
    tpu.wait_indirect_dma semaphore(%arg13 : memref<!tpu.dma_semaphore, #tpu.memory_space<semaphore_mem>>) src(%dma_wait3A_212 : memref<100001x16xf32, #tpu.memory_space<hbm>>) dst(%dma_wait3A_206 : memref<128x16xf32, #tpu.memory_space<vmem>>)
    %dma_wait3A_213 = arith.constant 1 : i32
    %dma_wait3A_214 = arith.constant 128 : i32
    %dma_wait3A_215 = arith.constant 0 : i32
    %dma_wait3A_216 = tpu.memref_slice %arg10[%dma_wait3A_214, %dma_wait3A_215] : memref<512x16xf32, #tpu.memory_space<vmem>> -> memref<128x16xf32, #tpu.memory_space<vmem>>
    %dma_wait3A_217 = arith.constant 0 : i32
    %dma_wait3A_218 = tpu.memref_slice %arg8[%dma_wait3A_213, %dma_wait3A_217] : memref<4x128xi32, #tpu.memory_space<vmem>> -> memref<1x128xi32, #tpu.memory_space<vmem>>
    %dma_wait3A_219 = tpu.memref_squeeze %dma_wait3A_218 : memref<1x128xi32, #tpu.memory_space<vmem>> -> memref<128xi32, #tpu.memory_space<vmem>>
    %dma_wait3A_220 = arith.constant 0 : i32
    %dma_wait3A_221 = arith.constant 0 : i32
    %dma_wait3A_222 = tpu.memref_slice %arg4[%dma_wait3A_220, %dma_wait3A_221] : memref<100001x16xf32, #tpu.memory_space<hbm>> -> memref<100001x16xf32, #tpu.memory_space<hbm>>
    tpu.wait_indirect_dma semaphore(%arg13 : memref<!tpu.dma_semaphore, #tpu.memory_space<semaphore_mem>>) src(%dma_wait3A_222 : memref<100001x16xf32, #tpu.memory_space<hbm>>) dst(%dma_wait3A_216 : memref<128x16xf32, #tpu.memory_space<vmem>>)
    %dma_wait3A_223 = arith.constant 2 : i32
    %dma_wait3A_224 = arith.constant 256 : i32
    %dma_wait3A_225 = arith.constant 0 : i32
    %dma_wait3A_226 = tpu.memref_slice %arg10[%dma_wait3A_224, %dma_wait3A_225] : memref<512x16xf32, #tpu.memory_space<vmem>> -> memref<128x16xf32, #tpu.memory_space<vmem>>
    %dma_wait3A_227 = arith.constant 0 : i32
    %dma_wait3A_228 = tpu.memref_slice %arg8[%dma_wait3A_223, %dma_wait3A_227] : memref<4x128xi32, #tpu.memory_space<vmem>> -> memref<1x128xi32, #tpu.memory_space<vmem>>
    %dma_wait3A_229 = tpu.memref_squeeze %dma_wait3A_228 : memref<1x128xi32, #tpu.memory_space<vmem>> -> memref<128xi32, #tpu.memory_space<vmem>>
    %dma_wait3A_230 = arith.constant 0 : i32
    %dma_wait3A_231 = arith.constant 0 : i32
    %dma_wait3A_232 = tpu.memref_slice %arg4[%dma_wait3A_230, %dma_wait3A_231] : memref<100001x16xf32, #tpu.memory_space<hbm>> -> memref<100001x16xf32, #tpu.memory_space<hbm>>
    tpu.wait_indirect_dma semaphore(%arg13 : memref<!tpu.dma_semaphore, #tpu.memory_space<semaphore_mem>>) src(%dma_wait3A_232 : memref<100001x16xf32, #tpu.memory_space<hbm>>) dst(%dma_wait3A_226 : memref<128x16xf32, #tpu.memory_space<vmem>>)
    %dma_wait3A_233 = arith.constant 3 : i32
    %dma_wait3A_234 = arith.constant 384 : i32
    %dma_wait3A_235 = arith.constant 0 : i32
    %dma_wait3A_236 = tpu.memref_slice %arg10[%dma_wait3A_234, %dma_wait3A_235] : memref<512x16xf32, #tpu.memory_space<vmem>> -> memref<128x16xf32, #tpu.memory_space<vmem>>
    %dma_wait3A_237 = arith.constant 0 : i32
    %dma_wait3A_238 = tpu.memref_slice %arg8[%dma_wait3A_233, %dma_wait3A_237] : memref<4x128xi32, #tpu.memory_space<vmem>> -> memref<1x128xi32, #tpu.memory_space<vmem>>
    %dma_wait3A_239 = tpu.memref_squeeze %dma_wait3A_238 : memref<1x128xi32, #tpu.memory_space<vmem>> -> memref<128xi32, #tpu.memory_space<vmem>>
    %dma_wait3A_240 = arith.constant 0 : i32
    %dma_wait3A_241 = arith.constant 0 : i32
    %dma_wait3A_242 = tpu.memref_slice %arg4[%dma_wait3A_240, %dma_wait3A_241] : memref<100001x16xf32, #tpu.memory_space<hbm>> -> memref<100001x16xf32, #tpu.memory_space<hbm>>
    tpu.wait_indirect_dma semaphore(%arg13 : memref<!tpu.dma_semaphore, #tpu.memory_space<semaphore_mem>>) src(%dma_wait3A_242 : memref<100001x16xf32, #tpu.memory_space<hbm>>) dst(%dma_wait3A_236 : memref<128x16xf32, #tpu.memory_space<vmem>>)
    %dma_wait3A_243 = arith.constant 0 : i32
    %dma_wait3A_244 = arith.constant 0 : i32
    %dma_wait3A_245 = arith.constant 0 : i32
    %dma_wait3A_246 = tpu.memref_slice %arg11[%dma_wait3A_244, %dma_wait3A_245] : memref<512x32xf32, #tpu.memory_space<vmem>> -> memref<128x32xf32, #tpu.memory_space<vmem>>
    %dma_wait3A_247 = arith.constant 0 : i32
    %dma_wait3A_248 = tpu.memref_slice %arg8[%dma_wait3A_243, %dma_wait3A_247] : memref<4x128xi32, #tpu.memory_space<vmem>> -> memref<1x128xi32, #tpu.memory_space<vmem>>
    %dma_wait3A_249 = tpu.memref_squeeze %dma_wait3A_248 : memref<1x128xi32, #tpu.memory_space<vmem>> -> memref<128xi32, #tpu.memory_space<vmem>>
    %dma_wait3A_250 = arith.constant 0 : i32
    %dma_wait3A_251 = arith.constant 0 : i32
    %dma_wait3A_252 = tpu.memref_slice %arg5[%dma_wait3A_250, %dma_wait3A_251] : memref<100001x32xf32, #tpu.memory_space<hbm>> -> memref<100001x32xf32, #tpu.memory_space<hbm>>
    tpu.wait_indirect_dma semaphore(%arg13 : memref<!tpu.dma_semaphore, #tpu.memory_space<semaphore_mem>>) src(%dma_wait3A_252 : memref<100001x32xf32, #tpu.memory_space<hbm>>) dst(%dma_wait3A_246 : memref<128x32xf32, #tpu.memory_space<vmem>>)
    %dma_wait3A_253 = arith.constant 1 : i32
    %dma_wait3A_254 = arith.constant 128 : i32
    %dma_wait3A_255 = arith.constant 0 : i32
    %dma_wait3A_256 = tpu.memref_slice %arg11[%dma_wait3A_254, %dma_wait3A_255] : memref<512x32xf32, #tpu.memory_space<vmem>> -> memref<128x32xf32, #tpu.memory_space<vmem>>
    %dma_wait3A_257 = arith.constant 0 : i32
    %dma_wait3A_258 = tpu.memref_slice %arg8[%dma_wait3A_253, %dma_wait3A_257] : memref<4x128xi32, #tpu.memory_space<vmem>> -> memref<1x128xi32, #tpu.memory_space<vmem>>
    %dma_wait3A_259 = tpu.memref_squeeze %dma_wait3A_258 : memref<1x128xi32, #tpu.memory_space<vmem>> -> memref<128xi32, #tpu.memory_space<vmem>>
    %dma_wait3A_260 = arith.constant 0 : i32
    %dma_wait3A_261 = arith.constant 0 : i32
    %dma_wait3A_262 = tpu.memref_slice %arg5[%dma_wait3A_260, %dma_wait3A_261] : memref<100001x32xf32, #tpu.memory_space<hbm>> -> memref<100001x32xf32, #tpu.memory_space<hbm>>
    tpu.wait_indirect_dma semaphore(%arg13 : memref<!tpu.dma_semaphore, #tpu.memory_space<semaphore_mem>>) src(%dma_wait3A_262 : memref<100001x32xf32, #tpu.memory_space<hbm>>) dst(%dma_wait3A_256 : memref<128x32xf32, #tpu.memory_space<vmem>>)
    %dma_wait3A_263 = arith.constant 2 : i32
    %dma_wait3A_264 = arith.constant 256 : i32
    %dma_wait3A_265 = arith.constant 0 : i32
    %dma_wait3A_266 = tpu.memref_slice %arg11[%dma_wait3A_264, %dma_wait3A_265] : memref<512x32xf32, #tpu.memory_space<vmem>> -> memref<128x32xf32, #tpu.memory_space<vmem>>
    %dma_wait3A_267 = arith.constant 0 : i32
    %dma_wait3A_268 = tpu.memref_slice %arg8[%dma_wait3A_263, %dma_wait3A_267] : memref<4x128xi32, #tpu.memory_space<vmem>> -> memref<1x128xi32, #tpu.memory_space<vmem>>
    %dma_wait3A_269 = tpu.memref_squeeze %dma_wait3A_268 : memref<1x128xi32, #tpu.memory_space<vmem>> -> memref<128xi32, #tpu.memory_space<vmem>>
    %dma_wait3A_270 = arith.constant 0 : i32
    %dma_wait3A_271 = arith.constant 0 : i32
    %dma_wait3A_272 = tpu.memref_slice %arg5[%dma_wait3A_270, %dma_wait3A_271] : memref<100001x32xf32, #tpu.memory_space<hbm>> -> memref<100001x32xf32, #tpu.memory_space<hbm>>
    tpu.wait_indirect_dma semaphore(%arg13 : memref<!tpu.dma_semaphore, #tpu.memory_space<semaphore_mem>>) src(%dma_wait3A_272 : memref<100001x32xf32, #tpu.memory_space<hbm>>) dst(%dma_wait3A_266 : memref<128x32xf32, #tpu.memory_space<vmem>>)
    %dma_wait3A_273 = arith.constant 3 : i32
    %dma_wait3A_274 = arith.constant 384 : i32
    %dma_wait3A_275 = arith.constant 0 : i32
    %dma_wait3A_276 = tpu.memref_slice %arg11[%dma_wait3A_274, %dma_wait3A_275] : memref<512x32xf32, #tpu.memory_space<vmem>> -> memref<128x32xf32, #tpu.memory_space<vmem>>
    %dma_wait3A_277 = arith.constant 0 : i32
    %dma_wait3A_278 = tpu.memref_slice %arg8[%dma_wait3A_273, %dma_wait3A_277] : memref<4x128xi32, #tpu.memory_space<vmem>> -> memref<1x128xi32, #tpu.memory_space<vmem>>
    %dma_wait3A_279 = tpu.memref_squeeze %dma_wait3A_278 : memref<1x128xi32, #tpu.memory_space<vmem>> -> memref<128xi32, #tpu.memory_space<vmem>>
    %dma_wait3A_280 = arith.constant 0 : i32
    %dma_wait3A_281 = arith.constant 0 : i32
    %dma_wait3A_282 = tpu.memref_slice %arg5[%dma_wait3A_280, %dma_wait3A_281] : memref<100001x32xf32, #tpu.memory_space<hbm>> -> memref<100001x32xf32, #tpu.memory_space<hbm>>
    tpu.wait_indirect_dma semaphore(%arg13 : memref<!tpu.dma_semaphore, #tpu.memory_space<semaphore_mem>>) src(%dma_wait3A_282 : memref<100001x32xf32, #tpu.memory_space<hbm>>) dst(%dma_wait3A_276 : memref<128x32xf32, #tpu.memory_space<vmem>>)
    %dma_wait3A_283 = arith.constant 0 : i32
    %dma_wait3A_284 = arith.constant 0 : i32
    %dma_wait3A_285 = arith.constant 0 : i32
    %dma_wait3A_286 = tpu.memref_slice %arg12[%dma_wait3A_284, %dma_wait3A_285] : memref<512x64xf32, #tpu.memory_space<vmem>> -> memref<128x64xf32, #tpu.memory_space<vmem>>
    %dma_wait3A_287 = arith.constant 0 : i32
    %dma_wait3A_288 = tpu.memref_slice %arg8[%dma_wait3A_283, %dma_wait3A_287] : memref<4x128xi32, #tpu.memory_space<vmem>> -> memref<1x128xi32, #tpu.memory_space<vmem>>
    %dma_wait3A_289 = tpu.memref_squeeze %dma_wait3A_288 : memref<1x128xi32, #tpu.memory_space<vmem>> -> memref<128xi32, #tpu.memory_space<vmem>>
    %dma_wait3A_290 = arith.constant 0 : i32
    %dma_wait3A_291 = arith.constant 0 : i32
    %dma_wait3A_292 = tpu.memref_slice %arg6[%dma_wait3A_290, %dma_wait3A_291] : memref<100001x64xf32, #tpu.memory_space<hbm>> -> memref<100001x64xf32, #tpu.memory_space<hbm>>
    tpu.wait_indirect_dma semaphore(%arg13 : memref<!tpu.dma_semaphore, #tpu.memory_space<semaphore_mem>>) src(%dma_wait3A_292 : memref<100001x64xf32, #tpu.memory_space<hbm>>) dst(%dma_wait3A_286 : memref<128x64xf32, #tpu.memory_space<vmem>>)
    %dma_wait3A_293 = arith.constant 1 : i32
    %dma_wait3A_294 = arith.constant 128 : i32
    %dma_wait3A_295 = arith.constant 0 : i32
    %dma_wait3A_296 = tpu.memref_slice %arg12[%dma_wait3A_294, %dma_wait3A_295] : memref<512x64xf32, #tpu.memory_space<vmem>> -> memref<128x64xf32, #tpu.memory_space<vmem>>
    %dma_wait3A_297 = arith.constant 0 : i32
    %dma_wait3A_298 = tpu.memref_slice %arg8[%dma_wait3A_293, %dma_wait3A_297] : memref<4x128xi32, #tpu.memory_space<vmem>> -> memref<1x128xi32, #tpu.memory_space<vmem>>
    %dma_wait3A_299 = tpu.memref_squeeze %dma_wait3A_298 : memref<1x128xi32, #tpu.memory_space<vmem>> -> memref<128xi32, #tpu.memory_space<vmem>>
    %dma_wait3A_300 = arith.constant 0 : i32
    %dma_wait3A_301 = arith.constant 0 : i32
    %dma_wait3A_302 = tpu.memref_slice %arg6[%dma_wait3A_300, %dma_wait3A_301] : memref<100001x64xf32, #tpu.memory_space<hbm>> -> memref<100001x64xf32, #tpu.memory_space<hbm>>
    tpu.wait_indirect_dma semaphore(%arg13 : memref<!tpu.dma_semaphore, #tpu.memory_space<semaphore_mem>>) src(%dma_wait3A_302 : memref<100001x64xf32, #tpu.memory_space<hbm>>) dst(%dma_wait3A_296 : memref<128x64xf32, #tpu.memory_space<vmem>>)
    %dma_wait3A_303 = arith.constant 2 : i32
    %dma_wait3A_304 = arith.constant 256 : i32
    %dma_wait3A_305 = arith.constant 0 : i32
    %dma_wait3A_306 = tpu.memref_slice %arg12[%dma_wait3A_304, %dma_wait3A_305] : memref<512x64xf32, #tpu.memory_space<vmem>> -> memref<128x64xf32, #tpu.memory_space<vmem>>
    %dma_wait3A_307 = arith.constant 0 : i32
    %dma_wait3A_308 = tpu.memref_slice %arg8[%dma_wait3A_303, %dma_wait3A_307] : memref<4x128xi32, #tpu.memory_space<vmem>> -> memref<1x128xi32, #tpu.memory_space<vmem>>
    %dma_wait3A_309 = tpu.memref_squeeze %dma_wait3A_308 : memref<1x128xi32, #tpu.memory_space<vmem>> -> memref<128xi32, #tpu.memory_space<vmem>>
    %dma_wait3A_310 = arith.constant 0 : i32
    %dma_wait3A_311 = arith.constant 0 : i32
    %dma_wait3A_312 = tpu.memref_slice %arg6[%dma_wait3A_310, %dma_wait3A_311] : memref<100001x64xf32, #tpu.memory_space<hbm>> -> memref<100001x64xf32, #tpu.memory_space<hbm>>
    tpu.wait_indirect_dma semaphore(%arg13 : memref<!tpu.dma_semaphore, #tpu.memory_space<semaphore_mem>>) src(%dma_wait3A_312 : memref<100001x64xf32, #tpu.memory_space<hbm>>) dst(%dma_wait3A_306 : memref<128x64xf32, #tpu.memory_space<vmem>>)
    %dma_wait3A_313 = arith.constant 3 : i32
    %dma_wait3A_314 = arith.constant 384 : i32
    %dma_wait3A_315 = arith.constant 0 : i32
    %dma_wait3A_316 = tpu.memref_slice %arg12[%dma_wait3A_314, %dma_wait3A_315] : memref<512x64xf32, #tpu.memory_space<vmem>> -> memref<128x64xf32, #tpu.memory_space<vmem>>
    %dma_wait3A_317 = arith.constant 0 : i32
    %dma_wait3A_318 = tpu.memref_slice %arg8[%dma_wait3A_313, %dma_wait3A_317] : memref<4x128xi32, #tpu.memory_space<vmem>> -> memref<1x128xi32, #tpu.memory_space<vmem>>
    %dma_wait3A_319 = tpu.memref_squeeze %dma_wait3A_318 : memref<1x128xi32, #tpu.memory_space<vmem>> -> memref<128xi32, #tpu.memory_space<vmem>>
    %dma_wait3A_320 = arith.constant 0 : i32
    %dma_wait3A_321 = arith.constant 0 : i32
    %dma_wait3A_322 = tpu.memref_slice %arg6[%dma_wait3A_320, %dma_wait3A_321] : memref<100001x64xf32, #tpu.memory_space<hbm>> -> memref<100001x64xf32, #tpu.memory_space<hbm>>
    tpu.wait_indirect_dma semaphore(%arg13 : memref<!tpu.dma_semaphore, #tpu.memory_space<semaphore_mem>>) src(%dma_wait3A_322 : memref<100001x64xf32, #tpu.memory_space<hbm>>) dst(%dma_wait3A_316 : memref<128x64xf32, #tpu.memory_space<vmem>>)
    %dma_start3A_323 = arith.constant 0 : i32
    %dma_start3A_324 = tpu.memref_slice %arg7[%mul3A_2, %dma_start3A_323] : memref<16384x128xf32, #tpu.memory_space<hbm>> -> memref<512x8xf32, #tpu.memory_space<hbm>>
    %dma_start3A_325 = arith.constant 0 : i32
    %dma_start3A_326 = tpu.memref_slice %arg7[%mul3A_2, %dma_start3A_325] : memref<16384x128xf32, #tpu.memory_space<hbm>> -> memref<512x8xf32, #tpu.memory_space<hbm>>
    tpu.enqueue_dma source(%arg9 : memref<512x8xf32, #tpu.memory_space<vmem>>) target(%dma_start3A_326 : memref<512x8xf32, #tpu.memory_space<hbm>>) target_semaphore(%arg13 : memref<!tpu.dma_semaphore, #tpu.memory_space<semaphore_mem>>)
    %dma_start3A_327 = arith.constant 8 : i32
    %dma_start3A_328 = tpu.memref_slice %arg7[%mul3A_2, %dma_start3A_327] : memref<16384x128xf32, #tpu.memory_space<hbm>> -> memref<512x16xf32, #tpu.memory_space<hbm>>
    %dma_start3A_329 = arith.constant 8 : i32
    %dma_start3A_330 = tpu.memref_slice %arg7[%mul3A_2, %dma_start3A_329] : memref<16384x128xf32, #tpu.memory_space<hbm>> -> memref<512x16xf32, #tpu.memory_space<hbm>>
    tpu.enqueue_dma source(%arg10 : memref<512x16xf32, #tpu.memory_space<vmem>>) target(%dma_start3A_330 : memref<512x16xf32, #tpu.memory_space<hbm>>) target_semaphore(%arg13 : memref<!tpu.dma_semaphore, #tpu.memory_space<semaphore_mem>>)
    %dma_start3A_331 = arith.constant 24 : i32
    %dma_start3A_332 = tpu.memref_slice %arg7[%mul3A_2, %dma_start3A_331] : memref<16384x128xf32, #tpu.memory_space<hbm>> -> memref<512x32xf32, #tpu.memory_space<hbm>>
    %dma_start3A_333 = arith.constant 24 : i32
    %dma_start3A_334 = tpu.memref_slice %arg7[%mul3A_2, %dma_start3A_333] : memref<16384x128xf32, #tpu.memory_space<hbm>> -> memref<512x32xf32, #tpu.memory_space<hbm>>
    tpu.enqueue_dma source(%arg11 : memref<512x32xf32, #tpu.memory_space<vmem>>) target(%dma_start3A_334 : memref<512x32xf32, #tpu.memory_space<hbm>>) target_semaphore(%arg13 : memref<!tpu.dma_semaphore, #tpu.memory_space<semaphore_mem>>)
    %dma_start3A_335 = arith.constant 56 : i32
    %dma_start3A_336 = tpu.memref_slice %arg7[%mul3A_2, %dma_start3A_335] : memref<16384x128xf32, #tpu.memory_space<hbm>> -> memref<512x64xf32, #tpu.memory_space<hbm>>
    %dma_start3A_337 = arith.constant 56 : i32
    %dma_start3A_338 = tpu.memref_slice %arg7[%mul3A_2, %dma_start3A_337] : memref<16384x128xf32, #tpu.memory_space<hbm>> -> memref<512x64xf32, #tpu.memory_space<hbm>>
    tpu.enqueue_dma source(%arg12 : memref<512x64xf32, #tpu.memory_space<vmem>>) target(%dma_start3A_338 : memref<512x64xf32, #tpu.memory_space<hbm>>) target_semaphore(%arg13 : memref<!tpu.dma_semaphore, #tpu.memory_space<semaphore_mem>>)
    %dma_wait3A_339 = arith.constant 0 : i32
    %dma_wait3A_340 = tpu.memref_slice %arg7[%mul3A_2, %dma_wait3A_339] : memref<16384x128xf32, #tpu.memory_space<hbm>> -> memref<512x8xf32, #tpu.memory_space<hbm>>
    %dma_wait3A_341 = arith.constant 0 : i32
    %dma_wait3A_342 = tpu.memref_slice %arg7[%mul3A_2, %dma_wait3A_341] : memref<16384x128xf32, #tpu.memory_space<hbm>> -> memref<512x8xf32, #tpu.memory_space<hbm>>
    tpu.wait_dma2 semaphore(%arg13 : memref<!tpu.dma_semaphore, #tpu.memory_space<semaphore_mem>>) src(%arg9 : memref<512x8xf32, #tpu.memory_space<vmem>>) dst(%dma_wait3A_342 : memref<512x8xf32, #tpu.memory_space<hbm>>)
    %dma_wait3A_343 = arith.constant 8 : i32
    %dma_wait3A_344 = tpu.memref_slice %arg7[%mul3A_2, %dma_wait3A_343] : memref<16384x128xf32, #tpu.memory_space<hbm>> -> memref<512x16xf32, #tpu.memory_space<hbm>>
    %dma_wait3A_345 = arith.constant 8 : i32
    %dma_wait3A_346 = tpu.memref_slice %arg7[%mul3A_2, %dma_wait3A_345] : memref<16384x128xf32, #tpu.memory_space<hbm>> -> memref<512x16xf32, #tpu.memory_space<hbm>>
    tpu.wait_dma2 semaphore(%arg13 : memref<!tpu.dma_semaphore, #tpu.memory_space<semaphore_mem>>) src(%arg10 : memref<512x16xf32, #tpu.memory_space<vmem>>) dst(%dma_wait3A_346 : memref<512x16xf32, #tpu.memory_space<hbm>>)
    %dma_wait3A_347 = arith.constant 24 : i32
    %dma_wait3A_348 = tpu.memref_slice %arg7[%mul3A_2, %dma_wait3A_347] : memref<16384x128xf32, #tpu.memory_space<hbm>> -> memref<512x32xf32, #tpu.memory_space<hbm>>
    %dma_wait3A_349 = arith.constant 24 : i32
    %dma_wait3A_350 = tpu.memref_slice %arg7[%mul3A_2, %dma_wait3A_349] : memref<16384x128xf32, #tpu.memory_space<hbm>> -> memref<512x32xf32, #tpu.memory_space<hbm>>
    tpu.wait_dma2 semaphore(%arg13 : memref<!tpu.dma_semaphore, #tpu.memory_space<semaphore_mem>>) src(%arg11 : memref<512x32xf32, #tpu.memory_space<vmem>>) dst(%dma_wait3A_350 : memref<512x32xf32, #tpu.memory_space<hbm>>)
    %dma_wait3A_351 = arith.constant 56 : i32
    %dma_wait3A_352 = tpu.memref_slice %arg7[%mul3A_2, %dma_wait3A_351] : memref<16384x128xf32, #tpu.memory_space<hbm>> -> memref<512x64xf32, #tpu.memory_space<hbm>>
    %dma_wait3A_353 = arith.constant 56 : i32
    %dma_wait3A_354 = tpu.memref_slice %arg7[%mul3A_2, %dma_wait3A_353] : memref<16384x128xf32, #tpu.memory_space<hbm>> -> memref<512x64xf32, #tpu.memory_space<hbm>>
    tpu.wait_dma2 semaphore(%arg13 : memref<!tpu.dma_semaphore, #tpu.memory_space<semaphore_mem>>) src(%arg12 : memref<512x64xf32, #tpu.memory_space<vmem>>) dst(%dma_wait3A_354 : memref<512x64xf32, #tpu.memory_space<hbm>>)
    return
  }
}

module attributes {stable_mosaic.version = 14 : i64} {
  func.func @_tc_combine_body(%arg0: i32, %arg1: memref<5xf32, #tpu.memory_space<smem>>, %arg2: memref<2048x128xf32, #tpu.memory_space<vmem>>, %arg3: memref<2048x128xf32, #tpu.memory_space<vmem>>, %arg4: memref<128x128xf32, #tpu.memory_space<vmem>>, %arg5: memref<4x128xf32, #tpu.memory_space<vmem>>, %arg6: memref<2048x128xf32, #tpu.memory_space<vmem>>) attributes {dimension_semantics = [#tpu.dimension_semantics<arbitrary>], iteration_bounds = array<i64: 8>, scalar_prefetch = 0 : i64, scratch_operands = 0 : i64, tpu.core_type = #tpu.core_type<tc>, window_params = [{transform_indices = @transform_0, window_bounds = array<i64: 5>}, {transform_indices = @transform_1, window_bounds = array<i64: 2048, 128>}, {transform_indices = @transform_2, window_bounds = array<i64: 2048, 128>}, {pipeline_mode = #tpu.pipeline_mode<synchronous>, transform_indices = @transform_3, window_bounds = array<i64: 128, 128>}, {pipeline_mode = #tpu.pipeline_mode<synchronous>, transform_indices = @transform_4, window_bounds = array<i64: 4, 128>}, {transform_indices = @transform_5, window_bounds = array<i64: 2048, 128>}]} {
    %get3A = arith.constant 0 : index
    %get3A_0 = memref.load %arg1[%get3A] : memref<5xf32, #tpu.memory_space<smem>>
    %get3A_1 = arith.constant 1 : index
    %get3A_2 = memref.load %arg1[%get3A_1] : memref<5xf32, #tpu.memory_space<smem>>
    %get3A_3 = arith.constant 2 : index
    %get3A_4 = memref.load %arg1[%get3A_3] : memref<5xf32, #tpu.memory_space<smem>>
    %get3A_5 = arith.constant 3 : index
    %get3A_6 = memref.load %arg1[%get3A_5] : memref<5xf32, #tpu.memory_space<smem>>
    %get3A_7 = arith.constant 4 : index
    %get3A_8 = memref.load %arg1[%get3A_7] : memref<5xf32, #tpu.memory_space<smem>>
    %get3A_9 = arith.constant 0 : index
    %get3A_10 = arith.constant 0 : index
    %get3A_11 = vector.load %arg2[%get3A_9, %get3A_10] : memref<2048x128xf32, #tpu.memory_space<vmem>>, vector<2048x128xf32>
    %iota3A = tpu.iota {dimensions = array<i32: 1>} : vector<2048x128xi32>
    %lt3A = arith.constant 120 : i32
    %lt3A_12 = vector.broadcast %lt3A : i32 to vector<2048x128xi32>
    %lt3A_13 = arith.cmpi slt, %iota3A, %lt3A_12 : vector<2048x128xi32>
    %jit3A = arith.constant 0.000000e+00 : f32
    %broadcast_in_dim3A = vector.broadcast %jit3A : f32 to vector<2048x128xf32>
    %select_n3A = arith.select %lt3A_13, %get3A_11, %broadcast_in_dim3A : vector<2048x128xi1>, vector<2048x128xf32>
    %iota3A_14 = tpu.iota {dimensions = array<i32: 0>} : vector<128x128xi32>
    %lt3A_15 = arith.constant 8 : i32
    %lt3A_16 = vector.broadcast %lt3A_15 : i32 to vector<128x128xi32>
    %lt3A_17 = arith.cmpi slt, %iota3A_14, %lt3A_16 : vector<128x128xi32>
    %lt3A_18 = arith.constant 24 : i32
    %lt3A_19 = vector.broadcast %lt3A_18 : i32 to vector<128x128xi32>
    %lt3A_20 = arith.cmpi slt, %iota3A_14, %lt3A_19 : vector<128x128xi32>
    %lt3A_21 = arith.constant 56 : i32
    %lt3A_22 = vector.broadcast %lt3A_21 : i32 to vector<128x128xi32>
    %lt3A_23 = arith.cmpi slt, %iota3A_14, %lt3A_22 : vector<128x128xi32>
    %lt3A_24 = arith.constant 120 : i32
    %lt3A_25 = vector.broadcast %lt3A_24 : i32 to vector<128x128xi32>
    %lt3A_26 = arith.cmpi slt, %iota3A_14, %lt3A_25 : vector<128x128xi32>
    %jit3A_27 = arith.constant 0.000000e+00 : f32
    %broadcast_in_dim3A_28 = vector.broadcast %get3A_6 : f32 to vector<128x128xf32>
    %broadcast_in_dim3A_29 = vector.broadcast %jit3A_27 : f32 to vector<128x128xf32>
    %select_n3A_30 = arith.select %lt3A_26, %broadcast_in_dim3A_28, %broadcast_in_dim3A_29 : vector<128x128xi1>, vector<128x128xf32>
    %broadcast_in_dim3A_31 = vector.broadcast %get3A_4 : f32 to vector<128x128xf32>
    %select_n3A_32 = arith.select %lt3A_23, %broadcast_in_dim3A_31, %select_n3A_30 : vector<128x128xi1>, vector<128x128xf32>
    %broadcast_in_dim3A_33 = vector.broadcast %get3A_2 : f32 to vector<128x128xf32>
    %select_n3A_34 = arith.select %lt3A_20, %broadcast_in_dim3A_33, %select_n3A_32 : vector<128x128xi1>, vector<128x128xf32>
    %broadcast_in_dim3A_35 = vector.broadcast %get3A_0 : f32 to vector<128x128xf32>
    %select_n3A_36 = arith.select %lt3A_17, %broadcast_in_dim3A_35, %select_n3A_34 : vector<128x128xi1>, vector<128x128xf32>
    %get3A_37 = arith.constant 0 : index
    %get3A_38 = arith.constant 0 : index
    %get3A_39 = vector.load %arg4[%get3A_37, %get3A_38] : memref<128x128xf32, #tpu.memory_space<vmem>>, vector<128x128xf32>
    %mul3A = arith.mulf %get3A_39, %select_n3A_36 : vector<128x128xf32>
    %dot_general3A = arith.constant dense<0.000000e+00> : vector<2048x128xf32>
    %dot_general3A_40 = tpu.matmul %select_n3A, %mul3A, %dot_general3A {dimension_numbers = #tpu.dot_dimension_numbers<[1], [0], [0], [1], [0, 0, 1, 1], [], []>, transpose_lhs_hint = false} : vector<2048x128xf32>, vector<128x128xf32>, vector<2048x128xf32> -> vector<2048x128xf32>
    %get3A_41 = arith.constant 0 : index
    %get3A_42 = arith.constant 0 : index
    %get3A_43 = vector.load %arg5[%get3A_41, %get3A_42] : memref<4x128xf32, #tpu.memory_space<vmem>>, vector<1x128xf32>
    %get3A_44 = vector.shape_cast %get3A_43 : vector<1x128xf32> to vector<128xf32>
    %mul3A_45 = vector.broadcast %get3A_0 : f32 to vector<128xf32>
    %mul3A_46 = arith.mulf %mul3A_45, %get3A_44 : vector<128xf32>
    %get3A_47 = arith.constant 1 : index
    %get3A_48 = arith.constant 0 : index
    %get3A_49 = vector.load %arg5[%get3A_47, %get3A_48] : memref<4x128xf32, #tpu.memory_space<vmem>>, vector<1x128xf32>
    %get3A_50 = vector.shape_cast %get3A_49 : vector<1x128xf32> to vector<128xf32>
    %mul3A_51 = vector.broadcast %get3A_2 : f32 to vector<128xf32>
    %mul3A_52 = arith.mulf %mul3A_51, %get3A_50 : vector<128xf32>
    %add3A = arith.addf %mul3A_46, %mul3A_52 : vector<128xf32>
    %get3A_53 = arith.constant 2 : index
    %get3A_54 = arith.constant 0 : index
    %get3A_55 = vector.load %arg5[%get3A_53, %get3A_54] : memref<4x128xf32, #tpu.memory_space<vmem>>, vector<1x128xf32>
    %get3A_56 = vector.shape_cast %get3A_55 : vector<1x128xf32> to vector<128xf32>
    %mul3A_57 = vector.broadcast %get3A_4 : f32 to vector<128xf32>
    %mul3A_58 = arith.mulf %mul3A_57, %get3A_56 : vector<128xf32>
    %add3A_59 = arith.addf %add3A, %mul3A_58 : vector<128xf32>
    %get3A_60 = arith.constant 3 : index
    %get3A_61 = arith.constant 0 : index
    %get3A_62 = vector.load %arg5[%get3A_60, %get3A_61] : memref<4x128xf32, #tpu.memory_space<vmem>>, vector<1x128xf32>
    %get3A_63 = vector.shape_cast %get3A_62 : vector<1x128xf32> to vector<128xf32>
    %mul3A_64 = vector.broadcast %get3A_6 : f32 to vector<128xf32>
    %mul3A_65 = arith.mulf %mul3A_64, %get3A_63 : vector<128xf32>
    %add3A_66 = arith.addf %add3A_59, %mul3A_65 : vector<128xf32>
    %broadcast_in_dim3A_67 = vector.shape_cast %add3A_66 : vector<128xf32> to vector<1x128xf32>
    %add3A_68 = vector.broadcast %broadcast_in_dim3A_67 : vector<1x128xf32> to vector<2048x128xf32>
    %add3A_69 = arith.addf %dot_general3A_40, %add3A_68 : vector<2048x128xf32>
    %get3A_70 = arith.constant 0 : index
    %get3A_71 = arith.constant 0 : index
    %get3A_72 = vector.load %arg3[%get3A_70, %get3A_71] : memref<2048x128xf32, #tpu.memory_space<vmem>>, vector<2048x128xf32>
    %mul3A_73 = vector.broadcast %get3A_8 : f32 to vector<2048x128xf32>
    %mul3A_74 = arith.mulf %mul3A_73, %get3A_72 : vector<2048x128xf32>
    %add3A_75 = arith.addf %add3A_69, %mul3A_74 : vector<2048x128xf32>
    %swap3A = arith.constant 0 : index
    %swap3A_76 = arith.constant 0 : index
    %swap3A_77 = vector.load %arg6[%swap3A, %swap3A_76] : memref<2048x128xf32, #tpu.memory_space<vmem>>, vector<2048x128xf32>
    tpu.vector_store %arg6[%swap3A, %swap3A_76], %add3A_75 {strides = array<i32>} : memref<2048x128xf32, #tpu.memory_space<vmem>>, vector<2048x128xf32>,
    return
  }
  func.func @transform_0(%arg0: i32) -> i32 {
    %c0_i32 = arith.constant 0 : i32
    %c0_i32_0 = arith.constant 0 : i32
    return %c0_i32 : i32
  }
  func.func @transform_1(%arg0: i32) -> (i32, i32) {
    %c0_i32 = arith.constant 0 : i32
    %c0_i32_0 = arith.constant 0 : i32
    return %arg0, %c0_i32 : i32, i32
  }
  func.func @transform_2(%arg0: i32) -> (i32, i32) {
    %c0_i32 = arith.constant 0 : i32
    %c0_i32_0 = arith.constant 0 : i32
    return %arg0, %c0_i32 : i32, i32
  }
  func.func @transform_3(%arg0: i32) -> (i32, i32) {
    %c0_i32 = arith.constant 0 : i32
    %c0_i32_0 = arith.constant 0 : i32
    %c0_i32_1 = arith.constant 0 : i32
    return %c0_i32, %c0_i32_0 : i32, i32
  }
  func.func @transform_4(%arg0: i32) -> (i32, i32) {
    %c0_i32 = arith.constant 0 : i32
    %c0_i32_0 = arith.constant 0 : i32
    %c0_i32_1 = arith.constant 0 : i32
    return %c0_i32, %c0_i32_0 : i32, i32
  }
  func.func @transform_5(%arg0: i32) -> (i32, i32) {
    %c0_i32 = arith.constant 0 : i32
    %c0_i32_0 = arith.constant 0 : i32
    return %arg0, %c0_i32 : i32, i32
  }
}

</mosaic_0001>

<sc_bundles>
// kernel: kernel.5.cloned.1.call-start
scs
__scs_entry_jumppad:
0x0: {  	(pc) =	sbr.rel $0x88, $3  }
0x1: {  	(tag) =	ssettag $0x0;
	lr =	simm.s32 $0x1  }
0x2: {  	[smem:$0x3F92] =	sst lr;
	_ =	strace $0xD0000000  }
0x3: {  	_ = 	snop  }
0x4: {  	_ = 	snop  }
0x5: {  	_ = 	snop  }
0x6: {  	_ = 	snop  }
0x7: {  	_ = 	snop  }
__scs_overlays_trampoline_lowered:
0x8: {  	[smem:$0x3FA1] =	sst s0  }
0x9: {  	[smem:$0x3FA2] =	sst s1  }
0xa: {  	[smem:$0x3FA3] =	sst s2  }
0xb: {  	[smem:$0x3FA4] =	sst s3  }
0xc: {  	[smem:$0x3FA5] =	sst s4  }
0xd: {  	[smem:$0x3FA6] =	sst s5  }
0xe: {  	[smem:$0x3FA7] =	sst s6  }
0xf: {  	[smem:$0x3FA8] =	sst s7  }
0x10: {  	[smem:$0x3FA9] =	sst s8  }
0x11: {  	[smem:$0x3FAA] =	sst s9;
	s0 =	simm.s32 @!p0 $0x0  }
0x12: {  	s1 =	sld [smem:$0x3F90];
	s0 =	simm.s32 @p0 $0x1  }
0x13: {  	[smem:$0x3FAB] =	sst s0;
	s0 =	simm.s32 @!p1 $0x0  }
0x14: {  	s2 =	sld [smem:$0x3F8F];
	s0 =	simm.s32 @p1 $0x1  }
0x15: {  	[smem:$0x3FAC] =	sst s0;
	s0 =	simm.s32 @!p2 $0x0  }
0x16: {  	s3 =	sld [smem:$0x3FDB];
	s0 =	simm.s32 @p2 $0x1  }
0x17: {  	s4 =	simm.s32 $0x1BF5;
	[smem:$0x3FAE] =	sst s0  }
0x18: {  	s0 =	sld [smem:$0x3F91];
	_ =	swait.ge [sflag:s4], $0x0  }
0x19: {  	s7 =	sld [smem:$0x3F92]  }
0x1a: {  	s8 =	sadd.s32 $0xFFFFE003, lr  }
0x1b: {  	s9 =	sadd.s32 $0xFFFFFEF7, lr;
	s5 =	simm.s32 $0xFFFFFFFF;
	p2 =	slt.u32 s8, $0xFFFFF086  }
0x1c: {  	p1 =	slt.u32 s9, $0xF7A;
	s5 =	simm.s32 @!p2 $0x0  }
0x1d: {  	s5 =	simm.s32 @p1 $0x1;
	p0 =	seq.s32 s7, s2  }
0x1e: {  	s7 =	smul.u32 @!p0 $0xF7A, s2;
	p2 =	seq.s32 @!p0 s5, $0x0  }
0x1f: {  	s9 =	smul.u32 $0xF7A, s1;
	s8 =	simm.s32 @!p0 $0x1BF5;
	p2 =	por !p2, p0  }
0x20: {  	[sflag:s8] =	ssyncset.s32 @!p0 $0xFFFFF086;
	s6 =	sadd.s32 @!p0 s3, s7;
	s7 =	simm.s32 @!p0 $0x108  }
0x21: {  	s3 =	sadd.s32 s3, s9;
	s6 =	sadd.s32 @!p0 $0x88, s6;
	s7 =	simm.s32 @p2 $0x1082  }
0x22: {  	[simem:s7], [sflag:s8] =	dma.local @!p0 [hbm:s6], $0xF7A  }
0x23: {  	s9 =	sor.u32 $0xD0000000, s2;
	s6 =	simm.s32 $0x108;
	_ =	swait.ge @!p0 [sflag:s8], $0x0  }
0x24: {  	s3 =	sadd.s32 $0x88, s3;
	s6 =	simm.s32 @!p1 $0x1082;
	[sflag:s4] =	ssyncset.s32 $0xFFFFF086  }
0x25: {  	[simem:s6], [sflag:s4] =	dma.local [hbm:s3], $0xF7A  }
0x26: {  	[smem:$0x3F92] =	sst s1;
	(tag) =	ssettag s2;
	_ =	strace s9  }
0x27: {  	s1 =	sld [smem:$0x3FA2]  }
0x28: {  	s2 =	sld [smem:$0x3FA3]  }
0x29: {  	s4 =	sld [smem:$0x3FA5]  }
0x2a: {  	p0 =	seq.s32 s5, $0x0;
	s5 =	sld [smem:$0x3FA6]  }
0x2b: {  	s6 =	sld [smem:$0x3FA7]  }
0x2c: {  	s7 =	sld [smem:$0x3FA8]  }
0x2d: {  	s3 =	simm.s32 $0x108;
	s8 =	sld [smem:$0x3FA9]  }
0x2e: {  	s3 =	simm.s32 @!p0 $0x1082;
	s9 =	sld [smem:$0x3FAA]  }
0x2f: {  	lr =	sadd.s32 s0, s3;
	s0 =	sld [smem:$0x3FA1]  }
0x30: {  	s3 =	sld [smem:$0x3FA4]  }
0x31: {  	[smem:$0x3FAD] =	sst s10  }
0x32: {  	s10 =	sld [smem:$0x3FAB];
	_ =	sdelay $0x3  }
0x33: {  	p0 =	seq.s32 s10, $0x1;
	s10 =	sld [smem:$0x3FAD];
	_ =	sdelay $0x3  }
0x34: {  	[smem:$0x3FAD] =	sst s10  }
0x35: {  	s10 =	sld [smem:$0x3FAC];
	_ =	sdelay $0x3  }
0x36: {  	p1 =	seq.s32 s10, $0x1;
	s10 =	sld [smem:$0x3FAD];
	_ =	sdelay $0x3  }
0x37: {  	[smem:$0x3FAD] =	sst s10  }
0x38: {  	s10 =	sld [smem:$0x3FAE]  }
0x39: {  	_ = 	snop;
	(pc) =	sbr.ind lr, $3  }
0x3a: {  	_ = 	snop  }
0x3b: {  	_ = 	snop  }
0x3c: {  	p2 =	seq.s32 s10, $0x1;
	s10 =	sld [smem:$0x3FAD]  }
0x3d: {  	_ =	shalt  }
0x3e: {  	_ =	shalt  }
0x3f: {  	_ =	shalt  }
0x40: {  	_ =	shalt  }
0x41: {  	_ =	shalt  }
0x42: {  	_ =	shalt  }
0x43: {  	_ =	shalt  }
0x44: {  	_ =	shalt  }
0x45: {  	_ =	shalt  }
0x46: {  	_ =	shalt  }
0x47: {  	_ =	shalt  }
0x48: {  	_ =	shalt  }
0x49: {  	_ =	shalt  }
0x4a: {  	_ =	shalt  }
0x4b: {  	_ =	shalt  }
0x4c: {  	_ =	shalt  }
0x4d: {  	_ =	shalt  }
0x4e: {  	_ =	shalt  }
0x4f: {  	_ =	shalt  }
0x50: {  	_ =	shalt  }
0x51: {  	_ =	shalt  }
0x52: {  	_ =	shalt  }
0x53: {  	_ =	shalt  }
0x54: {  	_ =	shalt  }
0x55: {  	_ =	shalt  }
0x56: {  	_ =	shalt  }
0x57: {  	_ =	shalt  }
0x58: {  	_ =	shalt  }
0x59: {  	_ =	shalt  }
0x5a: {  	_ =	shalt  }
0x5b: {  	_ =	shalt  }
0x5c: {  	_ =	shalt  }
0x5d: {  	_ =	shalt  }
0x5e: {  	_ =	shalt  }
0x5f: {  	_ =	shalt  }
0x60: {  	_ =	shalt  }
0x61: {  	_ =	shalt  }
0x62: {  	_ =	shalt  }
0x63: {  	_ =	shalt  }
0x64: {  	_ =	shalt  }
0x65: {  	_ =	shalt  }
0x66: {  	_ =	shalt  }
0x67: {  	_ =	shalt  }
0x68: {  	_ =	shalt  }
0x69: {  	_ =	shalt  }
0x6a: {  	_ =	shalt  }
0x6b: {  	_ =	shalt  }
0x6c: {  	_ =	shalt  }
0x6d: {  	_ =	shalt  }
0x6e: {  	_ =	shalt  }
0x6f: {  	_ =	shalt  }
0x70: {  	_ =	shalt  }
0x71: {  	_ =	shalt  }
0x72: {  	_ =	shalt  }
0x73: {  	_ =	shalt  }
0x74: {  	_ =	shalt  }
0x75: {  	_ =	shalt  }
0x76: {  	_ =	shalt  }
0x77: {  	_ =	shalt  }
0x78: {  	_ =	shalt  }
0x79: {  	_ =	shalt  }
0x7a: {  	_ =	shalt  }
0x7b: {  	_ =	shalt  }
0x7c: {  	_ =	shalt  }
0x7d: {  	_ =	shalt  }
0x7e: {  	_ =	shalt  }
0x7f: {  	_ =	shalt  }
0x80: {  	_ =	shalt  }
0x81: {  	_ =	shalt  }
0x82: {  	_ =	shalt  }
0x83: {  	_ =	shalt  }
0x84: {  	_ =	shalt  }
0x85: {  	_ =	shalt  }
0x86: {  	_ =	shalt  }
0x87: {  	_ =	shalt  }
.Lfunc_end0:
.L_simem_size_0:
called_computation_lowered:
.L_overlay_start_0:
0x88: {  	s2 =	sld [smem:$0x3FD9]  }
0x89: {  	s3 =	sld [smem:$0x3FFE];
	_ =	sdelay $0x1  }
0x8a: {  	s1 =	srdreg.scid  }
0x8b: {  	s0 =	sand.u32 $0x1, s1  }
0x8c: {  	s17 =	sshll.u32 s0, $0xA;
	s2 =	sadd.s32 s3, s2  }
0x8d: {  	s2 =	sadd.s32 s2, s17  }
0x8e: {  	[smem:$0x3FB9] =	sst s2  }
0x8f: {  	_ = 	snop  }
0x90: {  	s2 =	sld [smem:$0x3FC9];
	(tm) =	ssettm $0x1  }
0x91: {  	s18 =	sld [smem:$0x3FFB];
	_ =	sdelay $0x3  }
0x92: {  	_ =	strace s18  }
0x93: {  	s3 =	sld [smem:$0x3FFC];
	_ =	sdelay $0x3  }
0x94: {  	_ =	strace s3  }
0x95: {  	s3 =	sld [smem:$0x3FFD];
	_ =	sdelay $0x3  }
0x96: {  	_ =	strace s3  }
0x97: {  	_ =	strace $0x8FFFFFFF  }
0x98: {  	s19 =	sld [smem:$0x3FDB];
	_ =	sdelay $0x1  }
0x99: {  	s4 =	simm.s32 $_scs_section_size  }
0x9a: {  	s5 =	simm.s32 $_size__tile_overlayer_lowered;
	s6 =	simm.s32 $_tile_overlayer_lowered  }
0x9b: {  	s22 =	simm.s32 $0x1BFF;
	s21 =	sshll.u32 s6, $0x1;
	s3 =	sadd.s32 s4, s19  }
0x9c: {  	s7 =	simm.s32 $0x0;
	s20 =	sshll.u32 s5, $0x1;
	s5 =	sadd.s32 s21, s3  }
0x9d: {  	[timem:s7], [sflag:s22] =	dma.local [hbm:s5], s20  }
0x9e: {  	_ =	swait.ge [sflag:s22], s20  }
0x9f: {  	s4 =	ssub.s32 $0x0, s20;
	[sflag:s22] =	ssyncset.done $0x0  }
0xa0: {  	[sflag:s22] =	ssyncadd.s32 s4;
	_ =	sdelay $0x1  }
0xa1: {  	s23 =	simm.s32 $0x1B8B  }
0xa2: {  	_ =	swait.ge [sflag:s23], $0x1  }
0xa3: {  	[sflag:s23] =	ssyncset.done $0x0  }
0xa4: {  	s25 =	simm.s32 $0x1B8E;
	s24 =	sld [smem:$0x3FFE];
	[sflag:s23] =	ssyncadd.s32 $0xFFFFFFFF  }
0xa5: {  	s26 =	simm.s32 $execute0_lowered;
	[smem:$0x3FD2] =	sst s25  }
0xa6: {  	s5 =	sshll.u32 s26, $0x1;
	_ =	strace $0x80000046;
	[dreg:$0x1] =	wrdreg $0xFFFFFFFF  }
0xa7: {  	s28 =	simm.s32 $_size_execute0_lowered;
	s3 =	sadd.s32 s3, s5;
	[dreg:$0x0] =	wrdreg $0x0  }
0xa8: {  	s5 =	sshll.u32 s28, $0x1;
	[dreg:$0x2] =	wrdreg s3  }
0xa9: {  	[dreg:$0x3] =	wrdreg s5  }
0xaa: {  	[dreg:$0x4] =	wrdreg $0xC0  }
0xab: {  	_ =	task [dreg:s7], $0x5FFFF  }
0xac: {  	[dreg:$0x1] =	wrdreg $0xFFFFFFFF  }
0xad: {  	[dreg:$0x0] =	wrdreg $0x60  }
0xae: {  	[dreg:$0x2] =	wrdreg s2  }
0xaf: {  	[dreg:$0x3] =	wrdreg s24  }
0xb0: {  	[dreg:$0x4] =	wrdreg $0x9  }
0xb1: {  	_ =	task.clear_ibuf [dreg:s7], $0x5FFFF;
	_ =	strace $0x90000046  }
0xb2: {  	s29 =	simm.s32 $0x9;
	_ =	strace $0x80000048  }
0xb3: {  	_ =	swait.ge [sflag:s29], $0x1  }
0xb4: {  	[sflag:s29] =	ssyncadd.s32 $0xFFFFFFFF  }
0xb5: {  	_ =	strace $0x90000048  }
0xb6: {  	_ =	sfence  }
0xb7: {  	s30 =	sld [smem:$0x0];
	_ =	sdelay $0x2  }
0xb8: {  	s31 =	sshll.u32 s1, $0xD;
	s1 =	sshrl.u32 s1, $0x2  }
0xb9: {  	s3 =	sand.u32 $0x4000, s31;
	s1 =	sadd.s32 s1, s30  }
0xba: {  	s0 =	sor.u32 s3, s0;
	s1 =	sshll.u32 s1, $0x11  }
0xbb: {  	s0 =	sor.u32 s1, s0  }
0xbc: {  	s0 =	sadd.s32 $0x8F2B, s0  }
0xbd: {  	[sflag:s0] =	ssyncadd.remote.s32 $0x1  }
0xbe: {  	_ =	sfence.sel $0xFFFF  }
0xbf: {  	[dreg:$0x0] =	wrdreg $0xFFFFFFFF;
	(pc) =	sbr.abs _section_cstart, $3  }
0xc0: {  	[dreg:$0x1] =	wrdreg $0xFFFFFFFF  }
0xc1: {  	_ =	task.clear_ibuf [dreg:s7], $0x2FFFF;
	_ =	strace $0x9FFFFFFF  }
0xc2: {  	(tm) =	ssettm $0x7FFFFFFF  }
0xc3: {  	_ =	shalt  }
tec
execute0_lowered:
.L_overlay_start_1:
0x0: {  	(tag) =	ssettag $0x1  }
0x1: {  	s0 =	rddreg [dreg:$0x0]  }
0x2: {  	s1 =	rddreg [dreg:$0x1]  }
0x3: {  	s8 =	rddreg [dreg:$0x2];
	s11 =	simm.s32 $0x0;
	s2 =	srdreg.scid  }
0x4: {  	s3 =	stileid.u32;
	s26 =	simm.s32 $0x600;
	s22 =	simm.s32 $0xE00  }
0x5: {  	s23 =	simm.s32 $0x1A00;
	s24 =	simm.s32 $0x2200;
	s25 =	simm.s32 $0x2A00  }
0x6: {  	s6 =	simm.s32 $0x3200;
	s28 =	simm.s32 $0x5200;
	s29 =	simm.s32 $0x6200  }
0x7: {  	s7 =	simm.s32 $0x7200;
	s30 =	simm.s32 $0x9200;
	s31 =	simm.s32 $0xB200  }
0x8: {  	p0 =	por $0x0, $0x0;
	s5 =	simm.s32 $0x1;
	s12 =	simm.s32 $0x10  }
0x9: {  	s9 =	simm.s32 $0x20;
	s10 =	simm.s32 $0x40;
	[smem:$0x7FF] =	sst s11  }
0xa: {  	s2 =	sand.u32 $0x1, s2;
	s15 =	sadd.s32 $0x2DFC00, s1;
	s14 =	sadd.s32 $0x2AEE00, s1  }
0xb: {  	s3 =	sshll.u32 s3, $0x1;
	s13 =	sadd.s32 $0x24D200, s1;
	_ =	strace $0x80000047  }
0xc: {  	s3 =	sor.u32 s2, s3;
	s2 =	ssub.s32 $0x2, s2;
	[dreg:$0x8] =	wrdreg s26  }
0xd: {  	s26 =	simm.s32 $0x4200;
	s4 =	sshll.u32 s3, $0xD;
	s3 =	sshll.u32 s3, $0x6  }
0xe: {  	s18 =	sshrl.u32 s2, $0x1;
	s4 =	sadd.s32 s4, s1;
	s0 =	sadd.s32 s0, s3  }
0xf: {  	s2 =	ssub.s32 s2, s18;
	s3 =	simm.s32 $0x200;
	s18 =	simm.s32 $0x180  }
0x10: {  	[dreg:$0x3] =	wrdreg s0;
	s16 =	sadd.s32 $0x3000, s4;
	s21 =	smax.u32 s2, $0x1  }
0x11: {  	s17 =	sadd.s32 $0x3001, s4;
	s19 =	sadd.s32 $0x3003, s4;
	p1 =	sne.s32 s21, $0x1  }
.Ltmp0:
0x12: {  	s20 =	sadd.s32 $0x3007, s4;
	[dreg:$0x4] =	wrdreg s16;
	(pc) =	sbr.rel @!p1 .LBB2_1-.Ltmp0, $4  }
0x13: {  	s2 =	simm.s32 $0x80;
	s4 =	simm.s32 $0x1200;
	[dreg:$0x5] =	wrdreg s17  }
0x14: {  	s0 =	simm.s32 $0xD200;
	[dreg:$0x6] =	wrdreg s19;
	s16 =	sadd.s32 $0x189C00, s1  }
0x15: {  	[dreg:$0x7] =	wrdreg s20;
	s19 =	simm.s32 $0x2;
	s17 =	simm.s32 $0x100  }
0x16: {  	s21 =	sadd.s32 $0xFFFFFFFF, s21;
	s20 =	simm.s32 $0x8;
	s1 =	rddreg [dreg:$0x3]  }
0x17: {  	[tilespmem:s11], [sflag:$0x2] =	stream.linear.gather [hbm4b:s1+s11], $0x200, $0x38;
	[tilespmem:$0xF200] =	vst v63  }
0x18: {  	_ =	swait.ge [sflag:s19], $0x200  }
0x19: {  	[sflag:s19] =	ssyncset.done $0x0  }
0x1a: {  	[sflag:s19] =	ssyncadd.s32 $0xFFFFFE00  }
0x1b: {  	[tilespmem:s3], [sflag:$0x1] =	stream.indirect.gather [hbm4b:s15+s2], $0x8, s11, s2, $0xb8;
	[tilespmem:$0xF200] =	vst v63  }
0x1c: {  	s8 =	rddreg [dreg:$0x8]  }
0x1d: {  	[tilespmem:s8], [sflag:$0x1] =	stream.indirect.gather [hbm4b:s15+s2], $0x8, s2, s2, $0xb8;
	[tilespmem:$0xF200] =	vst v63  }
0x1e: {  	s8 =	simm.s32 $0xA00  }
0x1f: {  	[tilespmem:s8], [sflag:$0x1] =	stream.indirect.gather [hbm4b:s15+s2], $0x8, s17, s2, $0xb8;
	[tilespmem:$0xF200] =	vst v63  }
0x20: {  	_ = 	snop  }
0x21: {  	[tilespmem:s22], [sflag:$0x1] =	stream.indirect.gather [hbm4b:s15+s2], $0x8, s18, s2, $0xb8;
	[tilespmem:$0xF200] =	vst v63  }
0x22: {  	_ = 	snop  }
0x23: {  	[tilespmem:s4], [sflag:$0x1] =	stream.indirect.gather [hbm4b:s14+s2], $0x10, s11, s2, $0xb8;
	[tilespmem:$0xF200] =	vst v63  }
0x24: {  	_ = 	snop  }
0x25: {  	[tilespmem:s23], [sflag:$0x1] =	stream.indirect.gather [hbm4b:s14+s2], $0x10, s2, s2, $0xb8;
	[tilespmem:$0xF200] =	vst v63  }
0x26: {  	_ = 	snop  }
0x27: {  	[tilespmem:s24], [sflag:$0x1] =	stream.indirect.gather [hbm4b:s14+s2], $0x10, s17, s2, $0xb8;
	[tilespmem:$0xF200] =	vst v63  }
0x28: {  	_ = 	snop  }
0x29: {  	[tilespmem:s25], [sflag:$0x1] =	stream.indirect.gather [hbm4b:s14+s2], $0x10, s18, s2, $0xb8;
	[tilespmem:$0xF200] =	vst v63  }
0x2a: {  	_ = 	snop  }
0x2b: {  	[tilespmem:s6], [sflag:$0x1] =	stream.indirect.gather [hbm4b:s13+s2], $0x20, s11, s2, $0xb8;
	[tilespmem:$0xF200] =	vst v63  }
0x2c: {  	_ = 	snop  }
0x2d: {  	[tilespmem:s26], [sflag:$0x1] =	stream.indirect.gather [hbm4b:s13+s2], $0x20, s2, s2, $0xb8;
	[tilespmem:$0xF200] =	vst v63  }
0x2e: {  	_ = 	snop  }
0x2f: {  	[tilespmem:s28], [sflag:$0x1] =	stream.indirect.gather [hbm4b:s13+s2], $0x20, s17, s2, $0xb8;
	[tilespmem:$0xF200] =	vst v63  }
0x30: {  	_ = 	snop  }
0x31: {  	[tilespmem:s29], [sflag:$0x1] =	stream.indirect.gather [hbm4b:s13+s2], $0x20, s18, s2, $0xb8;
	[tilespmem:$0xF200] =	vst v63  }
0x32: {  	_ = 	snop  }
0x33: {  	[tilespmem:s7], [sflag:$0x1] =	stream.indirect.gather [hbm4b:s16+s2], $0x40, s11, s2, $0xb8;
	[tilespmem:$0xF200] =	vst v63  }
0x34: {  	_ = 	snop  }
0x35: {  	[tilespmem:s30], [sflag:$0x1] =	stream.indirect.gather [hbm4b:s16+s2], $0x40, s2, s2, $0xb8;
	[tilespmem:$0xF200] =	vst v63  }
0x36: {  	_ = 	snop  }
0x37: {  	[tilespmem:s31], [sflag:$0x1] =	stream.indirect.gather [hbm4b:s16+s2], $0x40, s17, s2, $0xb8;
	[tilespmem:$0xF200] =	vst v63  }
0x38: {  	_ = 	snop  }
0x39: {  	[tilespmem:s0], [sflag:$0x1] =	stream.indirect.gather [hbm4b:s16+s2], $0x40, s18, s2, $0xb8;
	[tilespmem:$0xF200] =	vst v63  }
0x3a: {  	_ =	swait.ge [sflag:s5], $0x400  }
0x3b: {  	[sflag:s5] =	ssyncset.done $0x0  }
0x3c: {  	[sflag:s5] =	ssyncadd.s32 $0xFFFFFC00  }
0x3d: {  	_ =	swait.ge [sflag:s5], $0x400  }
0x3e: {  	[sflag:s5] =	ssyncset.done $0x0  }
0x3f: {  	[sflag:s5] =	ssyncadd.s32 $0xFFFFFC00  }
0x40: {  	_ =	swait.ge [sflag:s5], $0x400  }
0x41: {  	[sflag:s5] =	ssyncset.done $0x0  }
0x42: {  	[sflag:s5] =	ssyncadd.s32 $0xFFFFFC00  }
0x43: {  	_ =	swait.ge [sflag:s5], $0x400  }
0x44: {  	[sflag:s5] =	ssyncset.done $0x0  }
0x45: {  	[sflag:s5] =	ssyncadd.s32 $0xFFFFFC00  }
0x46: {  	_ =	swait.ge [sflag:s5], $0x800  }
0x47: {  	[sflag:s5] =	ssyncset.done $0x0  }
0x48: {  	[sflag:s5] =	ssyncadd.s32 $0xFFFFF800  }
0x49: {  	_ =	swait.ge [sflag:s5], $0x800  }
0x4a: {  	[sflag:s5] =	ssyncset.done $0x0  }
0x4b: {  	[sflag:s5] =	ssyncadd.s32 $0xFFFFF800  }
0x4c: {  	_ =	swait.ge [sflag:s5], $0x800  }
0x4d: {  	[sflag:s5] =	ssyncset.done $0x0  }
0x4e: {  	[sflag:s5] =	ssyncadd.s32 $0xFFFFF800  }
0x4f: {  	_ =	swait.ge [sflag:s5], $0x800  }
0x50: {  	[sflag:s5] =	ssyncset.done $0x0  }
0x51: {  	[sflag:s5] =	ssyncadd.s32 $0xFFFFF800  }
0x52: {  	_ =	swait.ge [sflag:s5], $0x1000  }
0x53: {  	[sflag:s5] =	ssyncset.done $0x0  }
0x54: {  	[sflag:s5] =	ssyncadd.s32 $0xFFFFF000  }
0x55: {  	_ =	swait.ge [sflag:s5], $0x1000  }
0x56: {  	[sflag:s5] =	ssyncset.done $0x0  }
0x57: {  	[sflag:s5] =	ssyncadd.s32 $0xFFFFF000  }
0x58: {  	_ =	swait.ge [sflag:s5], $0x1000  }
0x59: {  	[sflag:s5] =	ssyncset.done $0x0  }
0x5a: {  	[sflag:s5] =	ssyncadd.s32 $0xFFFFF000  }
0x5b: {  	_ =	swait.ge [sflag:s5], $0x1000  }
0x5c: {  	[sflag:s5] =	ssyncset.done $0x0  }
0x5d: {  	[sflag:s5] =	ssyncadd.s32 $0xFFFFF000  }
0x5e: {  	_ =	swait.ge [sflag:s5], $0x2000  }
0x5f: {  	[sflag:s5] =	ssyncset.done $0x0  }
0x60: {  	[sflag:s5] =	ssyncadd.s32 $0xFFFFE000  }
0x61: {  	_ =	swait.ge [sflag:s5], $0x2000  }
0x62: {  	[sflag:s5] =	ssyncset.done $0x0  }
0x63: {  	[sflag:s5] =	ssyncadd.s32 $0xFFFFE000  }
0x64: {  	_ =	swait.ge [sflag:s5], $0x2000  }
0x65: {  	[sflag:s5] =	ssyncset.done $0x0  }
0x66: {  	[sflag:s5] =	ssyncadd.s32 $0xFFFFE000  }
0x67: {  	_ =	swait.ge [sflag:s5], $0x2000  }
0x68: {  	[sflag:s5] =	ssyncset.done $0x0  }
0x69: {  	s1 =	rddreg [dreg:$0x4];
	[sflag:s5] =	ssyncadd.s32 $0xFFFFE000  }
0x6a: {  	[hbm4b:s1+s20] =	stream.strided.scatter [tilespmem:s3], [sflag:$0x1], $0x1000, s2, s20, $0x38;
	[tilespmem:$0xF200] =	vst v63  }
0x6b: {  	s0 =	rddreg [dreg:$0x5]  }
0x6c: {  	[hbm4b:s0+s12] =	stream.strided.scatter [tilespmem:s4], [sflag:$0x1], $0x2000, s2, s12, $0x38;
	[tilespmem:$0xF200] =	vst v63  }
0x6d: {  	s1 =	rddreg [dreg:$0x6]  }
0x6e: {  	[hbm4b:s1+s9] =	stream.strided.scatter [tilespmem:s6], [sflag:$0x1], $0x4000, s2, s9, $0x38;
	[tilespmem:$0xF200] =	vst v63  }
0x6f: {  	s0 =	rddreg [dreg:$0x7]  }
0x70: {  	[hbm4b:s0+s10] =	stream.strided.scatter [tilespmem:s7], [sflag:$0x1], $0x8000, s2, s10, $0x38;
	[tilespmem:$0xF200] =	vst v63  }
0x71: {  	_ =	swait.ge [sflag:s5], $0x1000  }
0x72: {  	[sflag:s5] =	ssyncset.done $0x0  }
0x73: {  	[sflag:s5] =	ssyncadd.s32 $0xFFFFF000  }
0x74: {  	_ =	swait.ge [sflag:s5], $0x2000  }
0x75: {  	s8 =	smov.u32 s21;
	[sflag:s5] =	ssyncset.done $0x0  }
0x76: {  	p1 =	sne.s32 s8, $0x1;
	[sflag:s5] =	ssyncadd.s32 $0xFFFFE000  }
.Ltmp1:
0x77: {  	_ =	swait.ge [sflag:s5], $0x4000;
	(pc) =	sbr.rel @!p1 .LBB2_3-.Ltmp1, $4  }
0x78: {  	[sflag:s5] =	ssyncset.done $0x0  }
0x79: {  	[sflag:s5] =	ssyncadd.s32 $0xFFFFC000  }
0x7a: {  	p0 =	por $0x1, $0x1;
	s21 =	simm.s32 $0xD200;
	_ =	swait.ge [sflag:s5], $0x8000  }
0x7b: {  	s0 =	sadd.s32 $0xFFFFFFFF, s8;
	s1 =	rddreg [dreg:$0x3];
	[sflag:s5] =	ssyncset.done $0x0  }
.LBB2_4:
0x7c: {  	[sflag:s5] =	ssyncadd.s32 $0xFFFF8000  }
0x7d: {  	[tilespmem:s11], [sflag:$0x2] =	stream.linear.gather [hbm4b:s1+s11], $0x200, $0x38;
	[tilespmem:$0xF200] =	vst v63  }
0x7e: {  	_ =	swait.ge [sflag:s19], $0x200  }
0x7f: {  	[sflag:s19] =	ssyncset.done $0x0  }
0x80: {  	[sflag:s19] =	ssyncadd.s32 $0xFFFFFE00  }
0x81: {  	[tilespmem:s3], [sflag:$0x1] =	stream.indirect.gather [hbm4b:s15+s2], $0x8, s11, s2, $0xb8;
	[tilespmem:$0xF200] =	vst v63  }
0x82: {  	s8 =	rddreg [dreg:$0x8]  }
0x83: {  	[tilespmem:s8], [sflag:$0x1] =	stream.indirect.gather [hbm4b:s15+s2], $0x8, s2, s2, $0xb8;
	[tilespmem:$0xF200] =	vst v63  }
0x84: {  	s8 =	simm.s32 $0xA00  }
0x85: {  	[tilespmem:s8], [sflag:$0x1] =	stream.indirect.gather [hbm4b:s15+s2], $0x8, s17, s2, $0xb8;
	[tilespmem:$0xF200] =	vst v63  }
0x86: {  	_ = 	snop  }
0x87: {  	[tilespmem:s22], [sflag:$0x1] =	stream.indirect.gather [hbm4b:s15+s2], $0x8, s18, s2, $0xb8;
	[tilespmem:$0xF200] =	vst v63  }
0x88: {  	_ = 	snop  }
0x89: {  	[tilespmem:s4], [sflag:$0x1] =	stream.indirect.gather [hbm4b:s14+s2], $0x10, s11, s2, $0xb8;
	[tilespmem:$0xF200] =	vst v63  }
0x8a: {  	_ = 	snop  }
0x8b: {  	[tilespmem:s23], [sflag:$0x1] =	stream.indirect.gather [hbm4b:s14+s2], $0x10, s2, s2, $0xb8;
	[tilespmem:$0xF200] =	vst v63  }
0x8c: {  	_ = 	snop  }
0x8d: {  	[tilespmem:s24], [sflag:$0x1] =	stream.indirect.gather [hbm4b:s14+s2], $0x10, s17, s2, $0xb8;
	[tilespmem:$0xF200] =	vst v63  }
0x8e: {  	_ = 	snop  }
0x8f: {  	[tilespmem:s25], [sflag:$0x1] =	stream.indirect.gather [hbm4b:s14+s2], $0x10, s18, s2, $0xb8;
	[tilespmem:$0xF200] =	vst v63  }
0x90: {  	_ = 	snop  }
0x91: {  	[tilespmem:s6], [sflag:$0x1] =	stream.indirect.gather [hbm4b:s13+s2], $0x20, s11, s2, $0xb8;
	[tilespmem:$0xF200] =	vst v63  }
0x92: {  	_ = 	snop  }
0x93: {  	[tilespmem:s26], [sflag:$0x1] =	stream.indirect.gather [hbm4b:s13+s2], $0x20, s2, s2, $0xb8;
	[tilespmem:$0xF200] =	vst v63  }
0x94: {  	_ = 	snop  }
0x95: {  	[tilespmem:s28], [sflag:$0x1] =	stream.indirect.gather [hbm4b:s13+s2], $0x20, s17, s2, $0xb8;
	[tilespmem:$0xF200] =	vst v63  }
0x96: {  	_ = 	snop  }
0x97: {  	[tilespmem:s29], [sflag:$0x1] =	stream.indirect.gather [hbm4b:s13+s2], $0x20, s18, s2, $0xb8;
	[tilespmem:$0xF200] =	vst v63  }
0x98: {  	_ = 	snop  }
0x99: {  	[tilespmem:s7], [sflag:$0x1] =	stream.indirect.gather [hbm4b:s16+s2], $0x40, s11, s2, $0xb8;
	[tilespmem:$0xF200] =	vst v63  }
0x9a: {  	_ = 	snop  }
0x9b: {  	[tilespmem:s30], [sflag:$0x1] =	stream.indirect.gather [hbm4b:s16+s2], $0x40, s2, s2, $0xb8;
	[tilespmem:$0xF200] =	vst v63  }
0x9c: {  	_ = 	snop  }
0x9d: {  	[tilespmem:s31], [sflag:$0x1] =	stream.indirect.gather [hbm4b:s16+s2], $0x40, s17, s2, $0xb8;
	[tilespmem:$0xF200] =	vst v63  }
0x9e: {  	_ = 	snop  }
0x9f: {  	[tilespmem:s21], [sflag:$0x1] =	stream.indirect.gather [hbm4b:s16+s2], $0x40, s18, s2, $0xb8;
	[tilespmem:$0xF200] =	vst v63  }
0xa0: {  	_ =	swait.ge [sflag:s5], $0x400  }
0xa1: {  	[sflag:s5] =	ssyncset.done $0x0  }
0xa2: {  	[sflag:s5] =	ssyncadd.s32 $0xFFFFFC00  }
0xa3: {  	_ =	swait.ge [sflag:s5], $0x400  }
0xa4: {  	[sflag:s5] =	ssyncset.done $0x0  }
0xa5: {  	[sflag:s5] =	ssyncadd.s32 $0xFFFFFC00  }
0xa6: {  	_ =	swait.ge [sflag:s5], $0x400  }
0xa7: {  	[sflag:s5] =	ssyncset.done $0x0  }
0xa8: {  	[sflag:s5] =	ssyncadd.s32 $0xFFFFFC00  }
0xa9: {  	_ =	swait.ge [sflag:s5], $0x400  }
0xaa: {  	[sflag:s5] =	ssyncset.done $0x0  }
0xab: {  	[sflag:s5] =	ssyncadd.s32 $0xFFFFFC00  }
0xac: {  	_ =	swait.ge [sflag:s5], $0x800  }
0xad: {  	[sflag:s5] =	ssyncset.done $0x0  }
0xae: {  	[sflag:s5] =	ssyncadd.s32 $0xFFFFF800  }
0xaf: {  	_ =	swait.ge [sflag:s5], $0x800  }
0xb0: {  	[sflag:s5] =	ssyncset.done $0x0  }
0xb1: {  	[sflag:s5] =	ssyncadd.s32 $0xFFFFF800  }
0xb2: {  	_ =	swait.ge [sflag:s5], $0x800  }
0xb3: {  	[sflag:s5] =	ssyncset.done $0x0  }
0xb4: {  	[sflag:s5] =	ssyncadd.s32 $0xFFFFF800  }
0xb5: {  	_ =	swait.ge [sflag:s5], $0x800  }
0xb6: {  	[sflag:s5] =	ssyncset.done $0x0  }
0xb7: {  	[sflag:s5] =	ssyncadd.s32 $0xFFFFF800  }
0xb8: {  	_ =	swait.ge [sflag:s5], $0x1000  }
0xb9: {  	[sflag:s5] =	ssyncset.done $0x0  }
0xba: {  	[sflag:s5] =	ssyncadd.s32 $0xFFFFF000  }
0xbb: {  	_ =	swait.ge [sflag:s5], $0x1000  }
0xbc: {  	[sflag:s5] =	ssyncset.done $0x0  }
0xbd: {  	[sflag:s5] =	ssyncadd.s32 $0xFFFFF000  }
0xbe: {  	_ =	swait.ge [sflag:s5], $0x1000  }
0xbf: {  	[sflag:s5] =	ssyncset.done $0x0  }
0xc0: {  	[sflag:s5] =	ssyncadd.s32 $0xFFFFF000  }
0xc1: {  	_ =	swait.ge [sflag:s5], $0x1000  }
0xc2: {  	[sflag:s5] =	ssyncset.done $0x0  }
0xc3: {  	[sflag:s5] =	ssyncadd.s32 $0xFFFFF000  }
0xc4: {  	_ =	swait.ge [sflag:s5], $0x2000  }
0xc5: {  	[sflag:s5] =	ssyncset.done $0x0  }
0xc6: {  	[sflag:s5] =	ssyncadd.s32 $0xFFFFE000  }
0xc7: {  	_ =	swait.ge [sflag:s5], $0x2000  }
0xc8: {  	[sflag:s5] =	ssyncset.done $0x0  }
0xc9: {  	[sflag:s5] =	ssyncadd.s32 $0xFFFFE000  }
0xca: {  	_ =	swait.ge [sflag:s5], $0x2000  }
0xcb: {  	[sflag:s5] =	ssyncset.done $0x0  }
0xcc: {  	[sflag:s5] =	ssyncadd.s32 $0xFFFFE000  }
0xcd: {  	_ =	swait.ge [sflag:s5], $0x2000  }
0xce: {  	[sflag:s5] =	ssyncset.done $0x0  }
0xcf: {  	s1 =	rddreg [dreg:$0x4];
	[sflag:s5] =	ssyncadd.s32 $0xFFFFE000  }
0xd0: {  	[hbm4b:s1+s20] =	stream.strided.scatter [tilespmem:s3], [sflag:$0x1], $0x1000, s2, s20, $0x38;
	[tilespmem:$0xF200] =	vst v63  }
0xd1: {  	s8 =	rddreg [dreg:$0x5]  }
0xd2: {  	[hbm4b:s8+s12] =	stream.strided.scatter [tilespmem:s4], [sflag:$0x1], $0x2000, s2, s12, $0x38;
	[tilespmem:$0xF200] =	vst v63  }
0xd3: {  	s1 =	rddreg [dreg:$0x6]  }
0xd4: {  	[hbm4b:s1+s9] =	stream.strided.scatter [tilespmem:s6], [sflag:$0x1], $0x4000, s2, s9, $0x38;
	[tilespmem:$0xF200] =	vst v63  }
0xd5: {  	s8 =	rddreg [dreg:$0x7]  }
0xd6: {  	[hbm4b:s8+s10] =	stream.strided.scatter [tilespmem:s7], [sflag:$0x1], $0x8000, s2, s10, $0x38;
	[tilespmem:$0xF200] =	vst v63  }
0xd7: {  	_ =	swait.ge [sflag:s5], $0x1000  }
0xd8: {  	[sflag:s5] =	ssyncset.done $0x0  }
0xd9: {  	[sflag:s5] =	ssyncadd.s32 $0xFFFFF000  }
0xda: {  	_ =	swait.ge [sflag:s5], $0x2000  }
0xdb: {  	[sflag:s5] =	ssyncset.done $0x0  }
0xdc: {  	p1 =	sne.s32 s0, $0x1;
	[sflag:s5] =	ssyncadd.s32 $0xFFFFE000  }
.Ltmp2:
0xdd: {  	_ =	swait.ge [sflag:s5], $0x4000;
	(pc) =	sbr.rel @p1 .LBB2_4-.Ltmp2, $4  }
0xde: {  	[sflag:s5] =	ssyncset.done $0x0  }
0xdf: {  	[sflag:s5] =	ssyncadd.s32 $0xFFFFC000  }
0xe0: {  	_ =	swait.ge [sflag:s5], $0x8000  }
0xe1: {  	s0 =	sadd.s32 $0xFFFFFFFF, s0;
	s1 =	rddreg [dreg:$0x3];
	[sflag:s5] =	ssyncset.done $0x0  }
0xe2: {  	s10 =	simm.s32 $0xD200;
	s31 =	simm.s32 $0xB200;
	s30 =	simm.s32 $0x9200  }
0xe3: {  	s29 =	simm.s32 $0x6200;
	s28 =	simm.s32 $0x5200;
	s26 =	simm.s32 $0x4200  }
0xe4: {  	s25 =	simm.s32 $0x2A00;
	s24 =	simm.s32 $0x2200;
	s23 =	simm.s32 $0x1A00  }
0xe5: {  	s22 =	simm.s32 $0xE00;
	s21 =	simm.s32 $0xA00;
	s20 =	simm.s32 $0x8  }
0xe6: {  	s12 =	simm.s32 $0x10;
	s9 =	simm.s32 $0x20;
	s8 =	rddreg [dreg:$0x2]  }
.LBB2_6:
0xe7: {  	[sflag:s5] =	ssyncadd.s32 @p0 $0xFFFF8000  }
0xe8: {  	[tilespmem:s11], [sflag:$0x2] =	stream.linear.gather [hbm4b:s1+s11], $0x200, $0x38;
	[tilespmem:$0xF200] =	vst v63  }
0xe9: {  	_ =	swait.ge [sflag:s19], $0x200  }
0xea: {  	[sflag:s19] =	ssyncset.done $0x0  }
0xeb: {  	[sflag:s19] =	ssyncadd.s32 $0xFFFFFE00  }
0xec: {  	[tilespmem:s3], [sflag:$0x1] =	stream.indirect.gather [hbm4b:s15+s2], $0x8, s11, s2, $0xb8;
	[tilespmem:$0xF200] =	vst v63  }
0xed: {  	s0 =	rddreg [dreg:$0x8]  }
0xee: {  	[tilespmem:s0], [sflag:$0x1] =	stream.indirect.gather [hbm4b:s15+s2], $0x8, s2, s2, $0xb8;
	[tilespmem:$0xF200] =	vst v63  }
0xef: {  	_ = 	snop  }
0xf0: {  	[tilespmem:s21], [sflag:$0x1] =	stream.indirect.gather [hbm4b:s15+s2], $0x8, s17, s2, $0xb8;
	[tilespmem:$0xF200] =	vst v63  }
0xf1: {  	_ = 	snop  }
0xf2: {  	[tilespmem:s22], [sflag:$0x1] =	stream.indirect.gather [hbm4b:s15+s2], $0x8, s18, s2, $0xb8;
	[tilespmem:$0xF200] =	vst v63  }
0xf3: {  	_ = 	snop  }
0xf4: {  	[tilespmem:s4], [sflag:$0x1] =	stream.indirect.gather [hbm4b:s14+s2], $0x10, s11, s2, $0xb8;
	[tilespmem:$0xF200] =	vst v63  }
0xf5: {  	_ = 	snop  }
0xf6: {  	[tilespmem:s23], [sflag:$0x1] =	stream.indirect.gather [hbm4b:s14+s2], $0x10, s2, s2, $0xb8;
	[tilespmem:$0xF200] =	vst v63  }
0xf7: {  	_ = 	snop  }
0xf8: {  	[tilespmem:s24], [sflag:$0x1] =	stream.indirect.gather [hbm4b:s14+s2], $0x10, s17, s2, $0xb8;
	[tilespmem:$0xF200] =	vst v63  }
0xf9: {  	_ = 	snop  }
0xfa: {  	[tilespmem:s25], [sflag:$0x1] =	stream.indirect.gather [hbm4b:s14+s2], $0x10, s18, s2, $0xb8;
	[tilespmem:$0xF200] =	vst v63  }
0xfb: {  	_ = 	snop  }
0xfc: {  	[tilespmem:s6], [sflag:$0x1] =	stream.indirect.gather [hbm4b:s13+s2], $0x20, s11, s2, $0xb8;
	[tilespmem:$0xF200] =	vst v63  }
0xfd: {  	_ = 	snop  }
0xfe: {  	[tilespmem:s26], [sflag:$0x1] =	stream.indirect.gather [hbm4b:s13+s2], $0x20, s2, s2, $0xb8;
	[tilespmem:$0xF200] =	vst v63  }
0xff: {  	_ = 	snop  }
0x100: {  	[tilespmem:s28], [sflag:$0x1] =	stream.indirect.gather [hbm4b:s13+s2], $0x20, s17, s2, $0xb8;
	[tilespmem:$0xF200] =	vst v63  }
0x101: {  	_ = 	snop  }
0x102: {  	[tilespmem:s29], [sflag:$0x1] =	stream.indirect.gather [hbm4b:s13+s2], $0x20, s18, s2, $0xb8;
	[tilespmem:$0xF200] =	vst v63  }
0x103: {  	_ = 	snop  }
0x104: {  	[tilespmem:s7], [sflag:$0x1] =	stream.indirect.gather [hbm4b:s16+s2], $0x40, s11, s2, $0xb8;
	[tilespmem:$0xF200] =	vst v63  }
0x105: {  	_ = 	snop  }
0x106: {  	[tilespmem:s30], [sflag:$0x1] =	stream.indirect.gather [hbm4b:s16+s2], $0x40, s2, s2, $0xb8;
	[tilespmem:$0xF200] =	vst v63  }
0x107: {  	_ = 	snop  }
0x108: {  	[tilespmem:s31], [sflag:$0x1] =	stream.indirect.gather [hbm4b:s16+s2], $0x40, s17, s2, $0xb8;
	[tilespmem:$0xF200] =	vst v63  }
0x109: {  	_ = 	snop  }
0x10a: {  	[tilespmem:s10], [sflag:$0x1] =	stream.indirect.gather [hbm4b:s16+s2], $0x40, s18, s2, $0xb8;
	[tilespmem:$0xF200] =	vst v63  }
0x10b: {  	_ =	swait.ge [sflag:s5], $0x400  }
0x10c: {  	[sflag:s5] =	ssyncset.done $0x0  }
0x10d: {  	[sflag:s5] =	ssyncadd.s32 $0xFFFFFC00  }
0x10e: {  	_ =	swait.ge [sflag:s5], $0x400  }
0x10f: {  	[sflag:s5] =	ssyncset.done $0x0  }
0x110: {  	[sflag:s5] =	ssyncadd.s32 $0xFFFFFC00  }
0x111: {  	_ =	swait.ge [sflag:s5], $0x400  }
0x112: {  	[sflag:s5] =	ssyncset.done $0x0  }
0x113: {  	[sflag:s5] =	ssyncadd.s32 $0xFFFFFC00  }
0x114: {  	_ =	swait.ge [sflag:s5], $0x400  }
0x115: {  	[sflag:s5] =	ssyncset.done $0x0  }
0x116: {  	[sflag:s5] =	ssyncadd.s32 $0xFFFFFC00  }
0x117: {  	_ =	swait.ge [sflag:s5], $0x800  }
0x118: {  	[sflag:s5] =	ssyncset.done $0x0  }
0x119: {  	[sflag:s5] =	ssyncadd.s32 $0xFFFFF800  }
0x11a: {  	_ =	swait.ge [sflag:s5], $0x800  }
0x11b: {  	[sflag:s5] =	ssyncset.done $0x0  }
0x11c: {  	[sflag:s5] =	ssyncadd.s32 $0xFFFFF800  }
0x11d: {  	_ =	swait.ge [sflag:s5], $0x800  }
0x11e: {  	[sflag:s5] =	ssyncset.done $0x0  }
0x11f: {  	[sflag:s5] =	ssyncadd.s32 $0xFFFFF800  }
0x120: {  	_ =	swait.ge [sflag:s5], $0x800  }
0x121: {  	[sflag:s5] =	ssyncset.done $0x0  }
0x122: {  	[sflag:s5] =	ssyncadd.s32 $0xFFFFF800  }
0x123: {  	_ =	swait.ge [sflag:s5], $0x1000  }
0x124: {  	[sflag:s5] =	ssyncset.done $0x0  }
0x125: {  	[sflag:s5] =	ssyncadd.s32 $0xFFFFF000  }
0x126: {  	_ =	swait.ge [sflag:s5], $0x1000  }
0x127: {  	[sflag:s5] =	ssyncset.done $0x0  }
0x128: {  	[sflag:s5] =	ssyncadd.s32 $0xFFFFF000  }
0x129: {  	_ =	swait.ge [sflag:s5], $0x1000  }
0x12a: {  	[sflag:s5] =	ssyncset.done $0x0  }
0x12b: {  	[sflag:s5] =	ssyncadd.s32 $0xFFFFF000  }
0x12c: {  	_ =	swait.ge [sflag:s5], $0x1000  }
0x12d: {  	[sflag:s5] =	ssyncset.done $0x0  }
0x12e: {  	[sflag:s5] =	ssyncadd.s32 $0xFFFFF000  }
0x12f: {  	_ =	swait.ge [sflag:s5], $0x2000  }
0x130: {  	[sflag:s5] =	ssyncset.done $0x0  }
0x131: {  	[sflag:s5] =	ssyncadd.s32 $0xFFFFE000  }
0x132: {  	_ =	swait.ge [sflag:s5], $0x2000  }
0x133: {  	[sflag:s5] =	ssyncset.done $0x0  }
0x134: {  	[sflag:s5] =	ssyncadd.s32 $0xFFFFE000  }
0x135: {  	_ =	swait.ge [sflag:s5], $0x2000  }
0x136: {  	[sflag:s5] =	ssyncset.done $0x0  }
0x137: {  	[sflag:s5] =	ssyncadd.s32 $0xFFFFE000  }
0x138: {  	_ =	swait.ge [sflag:s5], $0x2000  }
0x139: {  	[sflag:s5] =	ssyncset.done $0x0  }
0x13a: {  	s25 =	rddreg [dreg:$0x4];
	[sflag:s5] =	ssyncadd.s32 $0xFFFFE000  }
0x13b: {  	[hbm4b:s25+s20] =	stream.strided.scatter [tilespmem:s3], [sflag:$0x1], $0x1000, s2, s20, $0x38;
	[tilespmem:$0xF200] =	vst v63  }
0x13c: {  	s26 =	rddreg [dreg:$0x5]  }
0x13d: {  	[hbm4b:s26+s12] =	stream.strided.scatter [tilespmem:s4], [sflag:$0x1], $0x2000, s2, s12, $0x38;
	[tilespmem:$0xF200] =	vst v63  }
0x13e: {  	s28 =	rddreg [dreg:$0x6]  }
0x13f: {  	[hbm4b:s28+s9] =	stream.strided.scatter [tilespmem:s6], [sflag:$0x1], $0x4000, s2, s9, $0x38;
	[tilespmem:$0xF200] =	vst v63  }
0x140: {  	s30 =	simm.s32 $0x40;
	s29 =	rddreg [dreg:$0x7]  }
0x141: {  	[hbm4b:s29+s30] =	stream.strided.scatter [tilespmem:s7], [sflag:$0x1], $0x8000, s2, s30, $0x38;
	[tilespmem:$0xF200] =	vst v63  }
0x142: {  	_ =	swait.ge [sflag:s5], $0x1000  }
0x143: {  	[sflag:s5] =	ssyncset.done $0x0  }
0x144: {  	[sflag:s5] =	ssyncadd.s32 $0xFFFFF000  }
0x145: {  	_ =	swait.ge [sflag:s5], $0x2000  }
0x146: {  	[sflag:s5] =	ssyncset.done $0x0  }
0x147: {  	[sflag:s5] =	ssyncadd.s32 $0xFFFFE000  }
0x148: {  	_ =	swait.ge [sflag:s5], $0x4000  }
0x149: {  	[sflag:s5] =	ssyncset.done $0x0  }
0x14a: {  	[sflag:s5] =	ssyncadd.s32 $0xFFFFC000  }
0x14b: {  	_ =	swait.ge [sflag:s5], $0x8000  }
0x14c: {  	[sflag:s5] =	ssyncset.done $0x0  }
0x14d: {  	[sflag:s5] =	ssyncadd.s32 $0xFFFF8000  }
0x14e: {  	_ =	sfence.sel $0x180000  }
0x14f: {  	s31 =	stileid.u32;
	[bflag:$0x0] =	sbarrier.arrive $0xFFFF  }
0x150: {  	p0 =	sne.s32 s31, $0x0;
	_ =	strace $0x90000047  }
0x151: {  	s0 =	sadd.s32 @!p0 $0x100000, s8;
	[bflag:$0x2] =	sbarrier.arrive $0xFFFF  }
0x152: {  	[sflag:s0] =	ssyncadd.tile.s32 @!p0 $0x1;
	_ =	shalt  }
.LBB2_1:
.Ltmp3:
0x153: {  	s10 =	simm.s32 $0xD200;
	s31 =	simm.s32 $0xB200;
	(pc) =	sbr.rel .LBB2_6-.Ltmp3, $4  }
0x154: {  	s30 =	simm.s32 $0x9200;
	s29 =	simm.s32 $0x6200;
	s28 =	simm.s32 $0x5200  }
0x155: {  	s26 =	simm.s32 $0x4200;
	s25 =	simm.s32 $0x2A00;
	s24 =	simm.s32 $0x2200  }
0x156: {  	s23 =	simm.s32 $0x1A00;
	s22 =	simm.s32 $0xE00;
	s21 =	simm.s32 $0xA00  }
0x157: {  	s20 =	simm.s32 $0x8;
	s12 =	simm.s32 $0x10;
	s9 =	simm.s32 $0x20  }
.LBB2_3:
0x158: {  	s10 =	simm.s32 $0xD200  }
.Ltmp4:
0x159: {  	s31 =	simm.s32 $0xB200;
	s30 =	simm.s32 $0x9200;
	(pc) =	sbr.rel .LBB2_6-.Ltmp4, $4  }
0x15a: {  	s29 =	simm.s32 $0x6200;
	s28 =	simm.s32 $0x5200;
	s26 =	simm.s32 $0x4200  }
0x15b: {  	s25 =	simm.s32 $0x2A00;
	s24 =	simm.s32 $0x2200;
	s23 =	simm.s32 $0x1A00  }
0x15c: {  	s22 =	simm.s32 $0xE00;
	s21 =	simm.s32 $0xA00;
	s20 =	simm.s32 $0x8  }
0x15d: {  	s12 =	simm.s32 $0x10;
	s9 =	simm.s32 $0x20;
	s8 =	rddreg [dreg:$0x2]  }
.Lfunc_end2:
_tile_overlayer_lowered:
.L_overlay_start_2:
0x15e: {  	(tag) =	ssettag $0x2  }
0x15f: {  	s0 =	rddreg [dreg:$0x0];
	s2 =	stileid.u32  }
0x160: {  	s1 =	rddreg [dreg:$0x1];
	p0 =	sne.s32 s2, $0x0  }
0x161: {  	s3 =	rddreg [dreg:$0x2];
	[bflag:$0x3] =	sbarrier.arrive $0xFFFF;
	s2 =	simm.s32 @!p0 $0x1C02  }
0x162: {  	[timem:s3], [sflag:s2] =	dma.local @!p0 [hbm:s0], s1  }
0x163: {  	s0 =	simm.s32 @!p0 $0x2  }
0x164: {  	_ =	swait.ge @!p0 [sflag:s0], s1  }
0x165: {  	s1 =	ssub.s32 @!p0 $0x0, s1;
	[sflag:s0] =	ssyncset.done @!p0 $0x0  }
0x166: {  	[sflag:s0] =	ssyncadd.s32 @!p0 s1  }
0x167: {  	[bflag:$0x3] =	sbarrier.arrive $0xFFFF  }
0x168: {  	_ =	shalt  }

// kernel: kernel.8.cloned.1.call-start
scs
__scs_entry_jumppad:
0x0: {  	(pc) =	sbr.rel $0x88, $3  }
0x1: {  	(tag) =	ssettag $0x0;
	lr =	simm.s32 $0x1  }
0x2: {  	[smem:$0x3F92] =	sst lr;
	_ =	strace $0xD0000000  }
0x3: {  	_ = 	snop  }
0x4: {  	_ = 	snop  }
0x5: {  	_ = 	snop  }
0x6: {  	_ = 	snop  }
0x7: {  	_ = 	snop  }
__scs_overlays_trampoline_lowered:
0x8: {  	[smem:$0x3FA1] =	sst s0  }
0x9: {  	[smem:$0x3FA2] =	sst s1  }
0xa: {  	[smem:$0x3FA3] =	sst s2  }
0xb: {  	[smem:$0x3FA4] =	sst s3  }
0xc: {  	[smem:$0x3FA5] =	sst s4  }
0xd: {  	[smem:$0x3FA6] =	sst s5  }
0xe: {  	[smem:$0x3FA7] =	sst s6  }
0xf: {  	[smem:$0x3FA8] =	sst s7  }
0x10: {  	[smem:$0x3FA9] =	sst s8  }
0x11: {  	[smem:$0x3FAA] =	sst s9;
	s0 =	simm.s32 @!p0 $0x0  }
0x12: {  	s1 =	sld [smem:$0x3F90];
	s0 =	simm.s32 @p0 $0x1  }
0x13: {  	[smem:$0x3FAB] =	sst s0;
	s0 =	simm.s32 @!p1 $0x0  }
0x14: {  	s2 =	sld [smem:$0x3F8F];
	s0 =	simm.s32 @p1 $0x1  }
0x15: {  	[smem:$0x3FAC] =	sst s0;
	s0 =	simm.s32 @!p2 $0x0  }
0x16: {  	s3 =	sld [smem:$0x3FDB];
	s0 =	simm.s32 @p2 $0x1  }
0x17: {  	s4 =	simm.s32 $0x1BF5;
	[smem:$0x3FAE] =	sst s0  }
0x18: {  	s0 =	sld [smem:$0x3F91];
	_ =	swait.ge [sflag:s4], $0x0  }
0x19: {  	s7 =	sld [smem:$0x3F92]  }
0x1a: {  	s8 =	sadd.s32 $0xFFFFE003, lr  }
0x1b: {  	s9 =	sadd.s32 $0xFFFFFEF7, lr;
	s5 =	simm.s32 $0xFFFFFFFF;
	p2 =	slt.u32 s8, $0xFFFFF086  }
0x1c: {  	p1 =	slt.u32 s9, $0xF7A;
	s5 =	simm.s32 @!p2 $0x0  }
0x1d: {  	s5 =	simm.s32 @p1 $0x1;
	p0 =	seq.s32 s7, s2  }
0x1e: {  	s7 =	smul.u32 @!p0 $0xF7A, s2;
	p2 =	seq.s32 @!p0 s5, $0x0  }
0x1f: {  	s9 =	smul.u32 $0xF7A, s1;
	s8 =	simm.s32 @!p0 $0x1BF5;
	p2 =	por !p2, p0  }
0x20: {  	[sflag:s8] =	ssyncset.s32 @!p0 $0xFFFFF086;
	s6 =	sadd.s32 @!p0 s3, s7;
	s7 =	simm.s32 @!p0 $0x108  }
0x21: {  	s3 =	sadd.s32 s3, s9;
	s6 =	sadd.s32 @!p0 $0x88, s6;
	s7 =	simm.s32 @p2 $0x1082  }
0x22: {  	[simem:s7], [sflag:s8] =	dma.local @!p0 [hbm:s6], $0xF7A  }
0x23: {  	s9 =	sor.u32 $0xD0000000, s2;
	s6 =	simm.s32 $0x108;
	_ =	swait.ge @!p0 [sflag:s8], $0x0  }
0x24: {  	s3 =	sadd.s32 $0x88, s3;
	s6 =	simm.s32 @!p1 $0x1082;
	[sflag:s4] =	ssyncset.s32 $0xFFFFF086  }
0x25: {  	[simem:s6], [sflag:s4] =	dma.local [hbm:s3], $0xF7A  }
0x26: {  	[smem:$0x3F92] =	sst s1;
	(tag) =	ssettag s2;
	_ =	strace s9  }
0x27: {  	s1 =	sld [smem:$0x3FA2]  }
0x28: {  	s2 =	sld [smem:$0x3FA3]  }
0x29: {  	s4 =	sld [smem:$0x3FA5]  }
0x2a: {  	p0 =	seq.s32 s5, $0x0;
	s5 =	sld [smem:$0x3FA6]  }
0x2b: {  	s6 =	sld [smem:$0x3FA7]  }
0x2c: {  	s7 =	sld [smem:$0x3FA8]  }
0x2d: {  	s3 =	simm.s32 $0x108;
	s8 =	sld [smem:$0x3FA9]  }
0x2e: {  	s3 =	simm.s32 @!p0 $0x1082;
	s9 =	sld [smem:$0x3FAA]  }
0x2f: {  	lr =	sadd.s32 s0, s3;
	s0 =	sld [smem:$0x3FA1]  }
0x30: {  	s3 =	sld [smem:$0x3FA4]  }
0x31: {  	[smem:$0x3FAD] =	sst s10  }
0x32: {  	s10 =	sld [smem:$0x3FAB];
	_ =	sdelay $0x3  }
0x33: {  	p0 =	seq.s32 s10, $0x1;
	s10 =	sld [smem:$0x3FAD];
	_ =	sdelay $0x3  }
0x34: {  	[smem:$0x3FAD] =	sst s10  }
0x35: {  	s10 =	sld [smem:$0x3FAC];
	_ =	sdelay $0x3  }
0x36: {  	p1 =	seq.s32 s10, $0x1;
	s10 =	sld [smem:$0x3FAD];
	_ =	sdelay $0x3  }
0x37: {  	[smem:$0x3FAD] =	sst s10  }
0x38: {  	s10 =	sld [smem:$0x3FAE]  }
0x39: {  	_ = 	snop;
	(pc) =	sbr.ind lr, $3  }
0x3a: {  	_ = 	snop  }
0x3b: {  	_ = 	snop  }
0x3c: {  	p2 =	seq.s32 s10, $0x1;
	s10 =	sld [smem:$0x3FAD]  }
0x3d: {  	_ =	shalt  }
0x3e: {  	_ =	shalt  }
0x3f: {  	_ =	shalt  }
0x40: {  	_ =	shalt  }
0x41: {  	_ =	shalt  }
0x42: {  	_ =	shalt  }
0x43: {  	_ =	shalt  }
0x44: {  	_ =	shalt  }
0x45: {  	_ =	shalt  }
0x46: {  	_ =	shalt  }
0x47: {  	_ =	shalt  }
0x48: {  	_ =	shalt  }
0x49: {  	_ =	shalt  }
0x4a: {  	_ =	shalt  }
0x4b: {  	_ =	shalt  }
0x4c: {  	_ =	shalt  }
0x4d: {  	_ =	shalt  }
0x4e: {  	_ =	shalt  }
0x4f: {  	_ =	shalt  }
0x50: {  	_ =	shalt  }
0x51: {  	_ =	shalt  }
0x52: {  	_ =	shalt  }
0x53: {  	_ =	shalt  }
0x54: {  	_ =	shalt  }
0x55: {  	_ =	shalt  }
0x56: {  	_ =	shalt  }
0x57: {  	_ =	shalt  }
0x58: {  	_ =	shalt  }
0x59: {  	_ =	shalt  }
0x5a: {  	_ =	shalt  }
0x5b: {  	_ =	shalt  }
0x5c: {  	_ =	shalt  }
0x5d: {  	_ =	shalt  }
0x5e: {  	_ =	shalt  }
0x5f: {  	_ =	shalt  }
0x60: {  	_ =	shalt  }
0x61: {  	_ =	shalt  }
0x62: {  	_ =	shalt  }
0x63: {  	_ =	shalt  }
0x64: {  	_ =	shalt  }
0x65: {  	_ =	shalt  }
0x66: {  	_ =	shalt  }
0x67: {  	_ =	shalt  }
0x68: {  	_ =	shalt  }
0x69: {  	_ =	shalt  }
0x6a: {  	_ =	shalt  }
0x6b: {  	_ =	shalt  }
0x6c: {  	_ =	shalt  }
0x6d: {  	_ =	shalt  }
0x6e: {  	_ =	shalt  }
0x6f: {  	_ =	shalt  }
0x70: {  	_ =	shalt  }
0x71: {  	_ =	shalt  }
0x72: {  	_ =	shalt  }
0x73: {  	_ =	shalt  }
0x74: {  	_ =	shalt  }
0x75: {  	_ =	shalt  }
0x76: {  	_ =	shalt  }
0x77: {  	_ =	shalt  }
0x78: {  	_ =	shalt  }
0x79: {  	_ =	shalt  }
0x7a: {  	_ =	shalt  }
0x7b: {  	_ =	shalt  }
0x7c: {  	_ =	shalt  }
0x7d: {  	_ =	shalt  }
0x7e: {  	_ =	shalt  }
0x7f: {  	_ =	shalt  }
0x80: {  	_ =	shalt  }
0x81: {  	_ =	shalt  }
0x82: {  	_ =	shalt  }
0x83: {  	_ =	shalt  }
0x84: {  	_ =	shalt  }
0x85: {  	_ =	shalt  }
0x86: {  	_ =	shalt  }
0x87: {  	_ =	shalt  }
.Lfunc_end0:
.L_simem_size_0:
called_computation.1_lowered:
.L_overlay_start_0:
0x88: {  	s2 =	sld [smem:$0x3FD9]  }
0x89: {  	s3 =	sld [smem:$0x3FFE];
	_ =	sdelay $0x1  }
0x8a: {  	s1 =	srdreg.scid  }
0x8b: {  	s0 =	sand.u32 $0x1, s1  }
0x8c: {  	s16 =	sshll.u32 s0, $0xA;
	s2 =	sadd.s32 s3, s2  }
0x8d: {  	s2 =	sadd.s32 s2, s16  }
0x8e: {  	[smem:$0x3FB9] =	sst s2  }
0x8f: {  	_ = 	snop  }
0x90: {  	s4 =	sld [smem:$0x3FD0];
	_ =	sdelay $0x1  }
0x91: {  	s2 =	sld [smem:$0x3FC9]  }
0x92: {  	s5 =	simm.s32 $0xB;
	s6 =	simm.s32 $0x10;
	s17 =	sld [smem:$0x3FC4]  }
0x93: {  	[smem:s6], [sflag:s5] =	dma.local [hbm:s4], $0x1  }
0x94: {  	_ =	swait.eq [sflag:s5], $0x1  }
0x95: {  	[sflag:s5] =	ssyncset.done $0x0  }
0x96: {  	[sflag:s5] =	ssyncadd.s32 $0xFFFFFFFF  }
0x97: {  	s18 =	sld [smem:$0x10];
	(tm) =	ssettm $0x1  }
0x98: {  	s19 =	sld [smem:$0x3FFB];
	_ =	sdelay $0x3  }
0x99: {  	_ =	strace s19  }
0x9a: {  	s4 =	sld [smem:$0x3FFC];
	_ =	sdelay $0x3  }
0x9b: {  	_ =	strace s4  }
0x9c: {  	s4 =	sld [smem:$0x3FFD];
	_ =	sdelay $0x3  }
0x9d: {  	_ =	strace s4  }
0x9e: {  	_ =	strace $0x8FFFFFFF  }
0x9f: {  	s20 =	sld [smem:$0x3FDB];
	_ =	sdelay $0x1  }
0xa0: {  	s21 =	simm.s32 $_scs_section_size  }
0xa1: {  	s7 =	simm.s32 $_size__tile_overlayer_lowered;
	s8 =	simm.s32 $_tile_overlayer_lowered  }
0xa2: {  	s9 =	simm.s32 $0x1BFF;
	s22 =	sshll.u32 s8, $0x1;
	s6 =	sadd.s32 s21, s20  }
0xa3: {  	s23 =	simm.s32 $0x0;
	s7 =	sshll.u32 s7, $0x1;
	s8 =	sadd.s32 s22, s6  }
0xa4: {  	[timem:s23], [sflag:s9] =	dma.local [hbm:s8], s7  }
0xa5: {  	_ =	swait.ge [sflag:s9], s7  }
0xa6: {  	s7 =	ssub.s32 $0x0, s7;
	[sflag:s9] =	ssyncset.done $0x0  }
0xa7: {  	[sflag:s9] =	ssyncadd.s32 s7;
	_ =	sdelay $0x1  }
0xa8: {  	s24 =	simm.s32 $0x1B8B  }
0xa9: {  	_ =	swait.ge [sflag:s24], $0x1  }
0xaa: {  	[sflag:s24] =	ssyncset.done $0x0  }
0xab: {  	[sflag:s24] =	ssyncadd.s32 $0xFFFFFFFF  }
0xac: {  	s7 =	sld [smem:$0x0]  }
0xad: {  	s8 =	sand.u32 $0xFFFFFFFE, s1  }
0xae: {  	p0 =	sne.s32 s1, s8  }
0xaf: {  	s8 =	sshll.u32 @p0 s8, $0xE  }
0xb0: {  	s8 =	sadd.s32 @p0 $0x11B8D, s8;
	s9 =	sshll.u32 @p0 s7, $0x11  }
0xb1: {  	s8 =	sor.u32 @p0 s9, s8  }
0xb2: {  	[sflag:s8] =	ssyncadd.remote.s32 @p0 $0x1;
	_ =	sdelay $0x1  }
0xb3: {  	s8 =	simm.s32 @p0 $0x1B8D  }
0xb4: {  	_ =	swait.eq @p0 [sflag:s8], $0x1  }
0xb5: {  	[sflag:s8] =	ssyncadd.s32 @p0 $0xFFFFFFFF  }
0xb6: {  	s9 =	sshll.u32 @!p0 s1, $0xE  }
0xb7: {  	s9 =	sor.u32 @!p0 $0x4000, s9;
	s8 =	simm.s32 @!p0 $0x1B8D  }
0xb8: {  	s7 =	sshll.u32 @!p0 s7, $0x11;
	s9 =	sadd.s32 @!p0 $0x11B8D, s9;
	_ =	swait.eq @!p0 [sflag:s8], $0x1  }
0xb9: {  	s7 =	sor.u32 @!p0 s7, s9;
	[sflag:s8] =	ssyncadd.s32 @!p0 $0xFFFFFFFF  }
0xba: {  	s25 =	simm.s32 $0x1B8E;
	[sflag:s7] =	ssyncadd.remote.s32 @!p0 $0x1  }
0xbb: {  	s26 =	simm.s32 $execute0_lowered;
	[smem:$0x3FD2] =	sst s25  }
0xbc: {  	s7 =	sshll.u32 s26, $0x1;
	_ =	strace $0x80000049;
	[dreg:$0x1] =	wrdreg $0xFFFFFFFF  }
0xbd: {  	s28 =	simm.s32 $_size_execute0_lowered;
	s6 =	sadd.s32 s6, s7;
	[dreg:$0x0] =	wrdreg $0x0  }
0xbe: {  	s7 =	sshll.u32 s28, $0x1;
	[dreg:$0x2] =	wrdreg s6  }
0xbf: {  	[dreg:$0x3] =	wrdreg s7  }
0xc0: {  	[dreg:$0x4] =	wrdreg $0xC0  }
0xc1: {  	_ =	task [dreg:s23], $0x5FFFF  }
0xc2: {  	[dreg:$0x1] =	wrdreg $0xFFFFFFFF  }
0xc3: {  	[dreg:$0x0] =	wrdreg $0x60  }
0xc4: {  	[dreg:$0x2] =	wrdreg s2  }
0xc5: {  	[dreg:$0x3] =	wrdreg s17  }
0xc6: {  	[dreg:$0x4] =	wrdreg s18  }
0xc7: {  	[dreg:$0x5] =	wrdreg $0xA  }
0xc8: {  	_ =	task.clear_ibuf [dreg:s23], $0x6FFFF;
	_ =	strace $0x90000049  }
0xc9: {  	s29 =	simm.s32 $0xA;
	_ =	strace $0x8000004B  }
0xca: {  	_ =	swait.ge [sflag:s29], $0x1  }
0xcb: {  	[sflag:s29] =	ssyncadd.s32 $0xFFFFFFFF  }
0xcc: {  	_ =	strace $0x9000004B  }
0xcd: {  	_ =	sfence  }
0xce: {  	s30 =	sld [smem:$0x0];
	_ =	sdelay $0x2  }
0xcf: {  	s31 =	sshll.u32 s1, $0xD;
	s1 =	sshrl.u32 s1, $0x2  }
0xd0: {  	s3 =	sand.u32 $0x4000, s31;
	s1 =	sadd.s32 s1, s30  }
0xd1: {  	s0 =	sor.u32 s3, s0;
	s1 =	sshll.u32 s1, $0x11  }
0xd2: {  	s0 =	sor.u32 s1, s0  }
0xd3: {  	s0 =	sadd.s32 $0x8F2B, s0  }
0xd4: {  	[sflag:s0] =	ssyncadd.remote.s32 $0x1  }
0xd5: {  	_ =	sfence.sel $0xFFFF  }
0xd6: {  	[dreg:$0x0] =	wrdreg $0xFFFFFFFF;
	(pc) =	sbr.abs _section_cstart, $3  }
0xd7: {  	[dreg:$0x1] =	wrdreg $0xFFFFFFFF  }
0xd8: {  	_ =	task.clear_ibuf [dreg:s23], $0x2FFFF;
	_ =	strace $0x9FFFFFFF  }
0xd9: {  	(tm) =	ssettm $0x7FFFFFFF  }
tec
execute0_lowered:
.L_overlay_start_1:
0x0: {  	(tag) =	ssettag $0x1  }
0x1: {  	s4 =	rddreg [dreg:$0x0]  }
0x2: {  	s1 =	rddreg [dreg:$0x1]  }
0x3: {  	s14 =	rddreg [dreg:$0x2];
	s2 =	srdreg.scid  }
0x4: {  	s0 =	rddreg [dreg:$0x3];
	s18 =	sand.u32 $0x1, s2  }
0x5: {  	s3 =	simm.s32 $0x0;
	s2 =	stileid.u32;
	s5 =	sshll.u32 s18, $0x6  }
0x6: {  	[smem:$0x7FF] =	sst s3;
	s6 =	sshll.u32 s2, $0x7;
	s4 =	sadd.s32 s4, s5  }
0x7: {  	_ =	strace $0x8000004A;
	s5 =	simm.s32 $0x2;
	s4 =	sadd.s32 s6, s4  }
0x8: {  	[tilespmem:s3], [sflag:$0x2] =	stream.linear.gather [hbm4b:s4+s3], $0x200, $0x38;
	[tilespmem:$0x10200] =	vst v63  }
0x9: {  	_ =	swait.ge [sflag:s5], $0x200  }
0xa: {  	[sflag:s5] =	ssyncset.done $0x0  }
0xb: {  	s7 =	simm.s32 $0x200;
	s6 =	simm.s32 $0x80;
	[sflag:s5] =	ssyncadd.s32 $0xFFFFFE00  }
0xc: {  	[tilespmem:s7], [sflag:$0x1] =	stream.indirect.gather [hbm4b:s1+s6], $0x80, s3, s6, $0xb8;
	[tilespmem:$0x10200] =	vst v63  }
0xd: {  	s8 =	simm.s32 $0x4200  }
0xe: {  	[tilespmem:s8], [sflag:$0x1] =	stream.indirect.gather [hbm4b:s1+s6], $0x80, s6, s6, $0xb8;
	[tilespmem:$0x10200] =	vst v63  }
0xf: {  	s9 =	simm.s32 $0x100;
	s10 =	simm.s32 $0x8200  }
0x10: {  	[tilespmem:s10], [sflag:$0x1] =	stream.indirect.gather [hbm4b:s1+s6], $0x80, s9, s6, $0xb8;
	[tilespmem:$0x10200] =	vst v63  }
0x11: {  	s11 =	simm.s32 $0x180;
	s13 =	simm.s32 $0xC200;
	s12 =	simm.s32 $0x1  }
0x12: {  	[tilespmem:s13], [sflag:$0x1] =	stream.indirect.gather [hbm4b:s1+s6], $0x80, s11, s6, $0xb8;
	[tilespmem:$0x10200] =	vst v63  }
0x13: {  	_ =	swait.ge [sflag:s12], $0x4000  }
0x14: {  	[sflag:s12] =	ssyncset.done $0x0  }
0x15: {  	[sflag:s12] =	ssyncadd.s32 $0xFFFFC000  }
0x16: {  	_ =	swait.ge [sflag:s12], $0x4000  }
0x17: {  	[sflag:s12] =	ssyncset.done $0x0  }
0x18: {  	[sflag:s12] =	ssyncadd.s32 $0xFFFFC000  }
0x19: {  	_ =	swait.ge [sflag:s12], $0x4000  }
0x1a: {  	[sflag:s12] =	ssyncset.done $0x0  }
0x1b: {  	[sflag:s12] =	ssyncadd.s32 $0xFFFFC000  }
0x1c: {  	s15 =	sshll.u32 s2, $0xE;
	s16 =	sshll.u32 s18, $0xD;
	_ =	swait.ge [sflag:s12], $0x4000  }
0x1d: {  	s15 =	sor.u32 s16, s15;
	[sflag:s12] =	ssyncset.done $0x0  }
0x1e: {  	s14 =	sadd.s32 s14, s15;
	[sflag:s12] =	ssyncadd.s32 $0xFFFFC000  }
0x1f: {  	[hbm4b:s14+s3] =	stream.linear.scatter [tilespmem:s7], [sflag:$0x1], $0x4000, $0x38;
	[tilespmem:$0x10200] =	vst v63  }
0x20: {  	s15 =	sadd.s32 $0x800, s14  }
0x21: {  	[hbm4b:s15+s3] =	stream.linear.scatter [tilespmem:s8], [sflag:$0x1], $0x4000, $0x38;
	[tilespmem:$0x10200] =	vst v63  }
0x22: {  	s16 =	sadd.s32 $0x1000, s14  }
0x23: {  	[hbm4b:s16+s3] =	stream.linear.scatter [tilespmem:s10], [sflag:$0x1], $0x4000, $0x38;
	[tilespmem:$0x10200] =	vst v63  }
0x24: {  	s17 =	sadd.s32 $0x1800, s14  }
0x25: {  	[hbm4b:s17+s3] =	stream.linear.scatter [tilespmem:s13], [sflag:$0x1], $0x4000, $0x38;
	[tilespmem:$0x10200] =	vst v63  }
0x26: {  	_ =	swait.ge [sflag:s12], $0x4000  }
0x27: {  	s18 =	ssub.s32 $0x2, s18;
	[sflag:s12] =	ssyncset.done $0x0  }
0x28: {  	s19 =	sshrl.u32 s18, $0x1;
	[sflag:s12] =	ssyncadd.s32 $0xFFFFC000  }
0x29: {  	s18 =	ssub.s32 s18, s19;
	_ =	swait.ge [sflag:s12], $0x4000  }
0x2a: {  	s18 =	smax.u32 s18, $0x1;
	[sflag:s12] =	ssyncset.done $0x0  }
0x2b: {  	p0 =	sne.s32 s18, $0x1;
	[sflag:s12] =	ssyncadd.s32 $0xFFFFC000  }
.Ltmp0:
0x2c: {  	_ =	swait.ge [sflag:s12], $0x4000;
	(pc) =	sbr.rel @!p0 .LBB2_2-.Ltmp0, $4  }
0x2d: {  	[sflag:s12] =	ssyncset.done $0x0  }
0x2e: {  	[sflag:s12] =	ssyncadd.s32 $0xFFFFC000  }
0x2f: {  	_ =	swait.ge [sflag:s12], $0x4000  }
0x30: {  	s18 =	sadd.s32 $0xFFFFFFFF, s18;
	[sflag:s12] =	ssyncset.done $0x0  }
.LBB2_1:
0x31: {  	p0 =	sne.s32 s18, $0x1;
	s18 =	sadd.s32 $0xFFFFFFFF, s18;
	[sflag:s12] =	ssyncadd.s32 $0xFFFFC000  }
0x32: {  	[tilespmem:s3], [sflag:$0x2] =	stream.linear.gather [hbm4b:s4+s3], $0x200, $0x38;
	[tilespmem:$0x10200] =	vst v63  }
0x33: {  	_ =	swait.ge [sflag:s5], $0x200  }
0x34: {  	[sflag:s5] =	ssyncset.done $0x0  }
0x35: {  	[sflag:s5] =	ssyncadd.s32 $0xFFFFFE00  }
0x36: {  	[tilespmem:s7], [sflag:$0x1] =	stream.indirect.gather [hbm4b:s1+s6], $0x80, s3, s6, $0xb8;
	[tilespmem:$0x10200] =	vst v63  }
0x37: {  	_ = 	snop  }
0x38: {  	[tilespmem:s8], [sflag:$0x1] =	stream.indirect.gather [hbm4b:s1+s6], $0x80, s6, s6, $0xb8;
	[tilespmem:$0x10200] =	vst v63  }
0x39: {  	_ = 	snop  }
0x3a: {  	[tilespmem:s10], [sflag:$0x1] =	stream.indirect.gather [hbm4b:s1+s6], $0x80, s9, s6, $0xb8;
	[tilespmem:$0x10200] =	vst v63  }
0x3b: {  	_ = 	snop  }
0x3c: {  	[tilespmem:s13], [sflag:$0x1] =	stream.indirect.gather [hbm4b:s1+s6], $0x80, s11, s6, $0xb8;
	[tilespmem:$0x10200] =	vst v63  }
0x3d: {  	_ =	swait.ge [sflag:s12], $0x4000  }
0x3e: {  	[sflag:s12] =	ssyncset.done $0x0  }
0x3f: {  	[sflag:s12] =	ssyncadd.s32 $0xFFFFC000  }
0x40: {  	_ =	swait.ge [sflag:s12], $0x4000  }
0x41: {  	[sflag:s12] =	ssyncset.done $0x0  }
0x42: {  	[sflag:s12] =	ssyncadd.s32 $0xFFFFC000  }
0x43: {  	_ =	swait.ge [sflag:s12], $0x4000  }
0x44: {  	[sflag:s12] =	ssyncset.done $0x0  }
0x45: {  	[sflag:s12] =	ssyncadd.s32 $0xFFFFC000  }
0x46: {  	_ =	swait.ge [sflag:s12], $0x4000  }
0x47: {  	[sflag:s12] =	ssyncset.done $0x0  }
0x48: {  	[sflag:s12] =	ssyncadd.s32 $0xFFFFC000  }
0x49: {  	[hbm4b:s14+s3] =	stream.linear.scatter [tilespmem:s7], [sflag:$0x1], $0x4000, $0x38;
	[tilespmem:$0x10200] =	vst v63  }
0x4a: {  	_ = 	snop  }
0x4b: {  	[hbm4b:s15+s3] =	stream.linear.scatter [tilespmem:s8], [sflag:$0x1], $0x4000, $0x38;
	[tilespmem:$0x10200] =	vst v63  }
0x4c: {  	_ = 	snop  }
0x4d: {  	[hbm4b:s16+s3] =	stream.linear.scatter [tilespmem:s10], [sflag:$0x1], $0x4000, $0x38;
	[tilespmem:$0x10200] =	vst v63  }
0x4e: {  	_ = 	snop  }
0x4f: {  	[hbm4b:s17+s3] =	stream.linear.scatter [tilespmem:s13], [sflag:$0x1], $0x4000, $0x38;
	[tilespmem:$0x10200] =	vst v63  }
0x50: {  	_ =	swait.ge [sflag:s12], $0x4000  }
0x51: {  	[sflag:s12] =	ssyncset.done $0x0  }
0x52: {  	[sflag:s12] =	ssyncadd.s32 $0xFFFFC000  }
0x53: {  	_ =	swait.ge [sflag:s12], $0x4000  }
0x54: {  	[sflag:s12] =	ssyncset.done $0x0  }
0x55: {  	[sflag:s12] =	ssyncadd.s32 $0xFFFFC000  }
.Ltmp1:
0x56: {  	_ =	swait.ge [sflag:s12], $0x4000;
	(pc) =	sbr.rel @p0 .LBB2_1-.Ltmp1, $4  }
0x57: {  	[sflag:s12] =	ssyncset.done $0x0  }
0x58: {  	[sflag:s12] =	ssyncadd.s32 $0xFFFFC000  }
0x59: {  	_ =	swait.ge [sflag:s12], $0x4000  }
0x5a: {  	[sflag:s12] =	ssyncset.done $0x0  }
.LBB2_2:
0x5b: {  	[sflag:s12] =	ssyncadd.s32 $0xFFFFC000  }
0x5c: {  	_ =	sfence.sel $0x180000  }
0x5d: {  	[bflag:$0x0] =	sbarrier.arrive $0xFFFF  }
0x5e: {  	p0 =	sne.s32 s2, $0x0;
	_ =	strace $0x9000004A  }
0x5f: {  	s0 =	sadd.s32 @!p0 $0x100000, s0;
	[bflag:$0x2] =	sbarrier.arrive $0xFFFF  }
0x60: {  	[sflag:s0] =	ssyncadd.tile.s32 @!p0 $0x1;
	_ =	shalt  }
.Lfunc_end2:
_tile_overlayer_lowered:
.L_overlay_start_2:
0x61: {  	(tag) =	ssettag $0x2  }
0x62: {  	s0 =	rddreg [dreg:$0x0];
	s2 =	stileid.u32  }
0x63: {  	s1 =	rddreg [dreg:$0x1];
	p0 =	sne.s32 s2, $0x0  }
0x64: {  	s3 =	rddreg [dreg:$0x2];
	[bflag:$0x3] =	sbarrier.arrive $0xFFFF;
	s2 =	simm.s32 @!p0 $0x1C02  }
0x65: {  	[timem:s3], [sflag:s2] =	dma.local @!p0 [hbm:s0], s1  }
0x66: {  	s0 =	simm.s32 @!p0 $0x2  }
0x67: {  	_ =	swait.ge @!p0 [sflag:s0], s1  }
0x68: {  	s1 =	ssub.s32 @!p0 $0x0, s1;
	[sflag:s0] =	ssyncset.done @!p0 $0x0  }
0x69: {  	[sflag:s0] =	ssyncadd.s32 @!p0 s1  }
0x6a: {  	[bflag:$0x3] =	sbarrier.arrive $0xFFFF  }
0x6b: {  	_ =	shalt  }

</sc_bundles>
